<compile_context>
chip_gen: v7x
topology: tpu7x:2x2x1
jax: 0.10.2.dev20260603
libtpu: 0.0.44.dev20260713+nightly
codegen_flags: <defaults>
</compile_context>

<pallas_src>
import jax
import jax.numpy as jnp
from jax import lax
from jax.experimental import pallas as pl
from jax.experimental.pallas import tpu as pltpu
from jax.experimental.pallas import tpu_sc as plsc

N = 131072
NU = 1024
D = 64
C = 3
NS = 2
NE = 1
K = C * (NS + 1) + NE

L = 16
NW = 32
NG = N // L
GPW = NG // NW
BG = 8
NBLK = GPW // BG
NEG = -1e30

_mesh = plsc.VectorSubcoreMesh(core_axis_name="c", subcore_axis_name="s")


def _body(feat_hbm, means_hbm, lp_hbm, labels_hbm, cn_hbm, usn_hbm, ex_hbm,
          tv_out, nc_out, counts_out,
          means_v, cn_v, usn_v, bias_v, feat_v, lab_v, ex_v,
          tv_stage, nc_stage, banks_v, merged_v):
  wid = lax.axis_index("s") * 2 + lax.axis_index("c")
  iota = lax.iota(jnp.int32, L)
  ones = jnp.ones((L,), jnp.float32)
  zf = jnp.zeros((L,), jnp.float32)
  zi = jnp.zeros((L,), jnp.int32)

  pltpu.sync_copy(means_hbm, means_v)
  pltpu.sync_copy(cn_hbm, cn_v)
  pltpu.sync_copy(usn_hbm, usn_v)
  pltpu.sync_copy(lp_hbm, bias_v)

  @pl.loop(0, NU // L)
  def _bias(uc):
    base = uc * L * D + iota * D
    def bstep(d, acc):
      m = plsc.load_gather(means_v, [base + d])
      return acc + m * m
    sq = lax.fori_loop(0, D, bstep, zf)
    lp = bias_v[pl.ds(uc * L, L)]
    bias_v[pl.ds(uc * L, L)] = lp - 0.5 * sq

  @pl.loop(0, NU)
  def _zero(i):
    banks_v[pl.ds(i * L, L)] = zf

  @pl.loop(0, NBLK)
  def _block(b):
    gbase = (wid * NBLK + b) * BG
    sbase = gbase * L
    pltpu.sync_copy(feat_hbm.at[pl.ds(gbase * D * L, BG * D * L)], feat_v)
    pltpu.sync_copy(labels_hbm.at[pl.ds(sbase, BG * L)], lab_v)
    pltpu.sync_copy(ex_hbm.at[pl.ds(sbase, BG * L)], ex_v)

    @pl.loop(0, BG)
    def _group(bg):
      labs = lab_v[pl.ds(bg * L, L)]
      cands = []
      tops = []
      for c in range(C):
        t = plsc.load_gather(cn_v, [labs * C + c])
        tops.append(t)
        cands.append(t)
      for c in range(C):
        for s in range(NS):
          cands.append(plsc.load_gather(usn_v, [tops[c] * NS + s]))
      cands.append(ex_v[pl.ds(bg * L, L)])

      bias = [plsc.load_gather(bias_v, [cands[k]]) for k in range(K)]
      cbase = [cands[k] * D for k in range(K)]

      def dstep(d, carry):
        xacc = carry[0]
        accs = list(carry[1:])
        f = feat_v[pl.ds((bg * D + d) * L, L)]
        xacc = xacc + f * f
        for k in range(K):
          m = plsc.load_gather(means_v, [cbase[k] + d])
          accs[k] = accs[k] + f * m
        return (xacc,) + tuple(accs)

      res = lax.fori_loop(0, D, dstep, (zf,) * (K + 1))
      xn = res[0]
      scores = [res[1 + k] - 0.5 * xn + bias[k] for k in range(K)]

      for j in range(C):
        best_v = scores[0]
        best_k = zi
        for k in range(1, K):
          take = scores[k] > best_v
          best_v = jnp.where(take, scores[k], best_v)
          best_k = jnp.where(take, jnp.int32(k), best_k)
        best_u = zi
        for k in range(K):
          is_k = best_k == k
          best_u = jnp.where(is_k, cands[k], best_u)
          if j < C - 1:
            scores[k] = jnp.where(is_k, NEG, scores[k])
        tv_stage[pl.ds((bg * C + j) * L, L)] = best_v
        nc_stage[pl.ds((bg * C + j) * L, L)] = best_u
        plsc.addupdate_scatter(banks_v, [iota * NU + best_u], ones)

    pltpu.sync_copy(tv_stage, tv_out.at[pl.ds(gbase * C * L, BG * C * L)])
    pltpu.sync_copy(nc_stage, nc_out.at[pl.ds(gbase * C * L, BG * C * L)])

  @pl.loop(0, NU // L)
  def _merge(uc):
    acc = zf
    for b in range(L):
      acc = acc + banks_v[pl.ds(b * NU + uc * L, L)]
    merged_v[pl.ds(uc * L, L)] = acc

  pltpu.sync_copy(merged_v, counts_out.at[wid])


_sc_call = pl.kernel(
    _body,
    out_type=(
        jax.ShapeDtypeStruct((NG * C * L,), jnp.float32),
        jax.ShapeDtypeStruct((NG * C * L,), jnp.int32),
        jax.ShapeDtypeStruct((NW, NU), jnp.float32),
    ),
    mesh=_mesh,
    compiler_params=pltpu.CompilerParams(needs_layout_passes=False),
    scratch_types=[
        pltpu.VMEM((NU * D,), jnp.float32),
        pltpu.VMEM((NU * C,), jnp.int32),
        pltpu.VMEM((NU * NS,), jnp.int32),
        pltpu.VMEM((NU,), jnp.float32),
        pltpu.VMEM((BG * D * L,), jnp.float32),
        pltpu.VMEM((BG * L,), jnp.int32),
        pltpu.VMEM((BG * L,), jnp.int32),
        pltpu.VMEM((BG * C * L,), jnp.float32),
        pltpu.VMEM((BG * C * L,), jnp.int32),
        pltpu.VMEM((L * NU,), jnp.float32),
        pltpu.VMEM((NU,), jnp.float32),
    ],
)


@jax.jit
def kernel(features, means, log_proportions, labels, closest_neighbors,
           unit_search_neighbors, explore_ids):
  feat_g = features.reshape(NG, L, D).transpose(0, 2, 1).reshape(-1)
  tv, nc, cparts = _sc_call(
      feat_g,
      means.reshape(-1),
      log_proportions,
      labels.astype(jnp.int32),
      closest_neighbors.reshape(-1).astype(jnp.int32),
      unit_search_neighbors.reshape(-1).astype(jnp.int32),
      explore_ids.reshape(-1).astype(jnp.int32),
  )
  top_vals = tv.reshape(NG, C, L).transpose(0, 2, 1).reshape(N, C)
  new_cand = nc.reshape(NG, C, L).transpose(0, 2, 1).reshape(N, C)
  counts = cparts.sum(axis=0)
  return top_vals, new_cand, counts

# --- scband reference (transcript-rebuilt; emitter-appended) ---
"""Pipeline reference for scband-spike-truncated-mixture-model-24223615550235 (READ-ONLY COPY).

The authoritative reference and input builder live on the scoring server;
editing this copy changes nothing except your own understanding.
"""

import jax, jax.numpy as jnp
import numpy as np

N = 131072
NU = 1024
D = 64
C = 3
NS = 2
NE = 1
K = C * (NS + 1) + NE


def setup_inputs(seed: int = 0) -> dict:
    key = jax.random.key(seed)
    ks = jax.random.split(key, 7)
    features = jax.random.normal(ks[0], (N, D), dtype=jnp.float32)
    labels = jax.random.randint(ks[1], (N,), 0, NU)
    closest_neighbors = jax.random.randint(ks[2], (NU, C), 0, NU)
    unit_search_neighbors = jax.random.randint(ks[3], (NU, NS), 0, NU)
    explore_ids = jax.random.randint(ks[4], (N, NE), 0, NU)
    means = jax.random.normal(ks[5], (NU, D), dtype=jnp.float32)
    log_proportions = jax.nn.log_softmax(
        jax.random.normal(ks[6], (NU,), dtype=jnp.float32))
    return {
        'features': features,
        'means': means,
        'log_proportions': log_proportions,
        'labels': labels,
        'closest_neighbors': closest_neighbors,
        'unit_search_neighbors': unit_search_neighbors,
        'explore_ids': explore_ids,
    }


def reference(features, means, log_proportions, labels, closest_neighbors,
              unit_search_neighbors, explore_ids):
    # --- propose_candidates: invariant-preserving gather cascade ---
    # top C candidates per spike: gather closest units of current label
    top = jnp.take(closest_neighbors, labels, axis=0)            # [N, C]
    # search neighbors of each top candidate
    search = jnp.take(unit_search_neighbors, top, axis=0)        # [N, C, NS]
    search = search.reshape(N, C * NS)
    # exploration units for each spike's neighborhood
    cand = jnp.concatenate([top, search, explore_ids], axis=1)   # [N, K]

    # --- truncated E-step candidate scoring (Gaussian log-lik + log prior) ---
    mu_c = jnp.take(means, cand, axis=0)                          # [N, K, D]
    xnorm = jnp.sum(features * features, axis=1)                  # [N]
    cross = jnp.einsum('nd,nkd->nk', features, mu_c)              # [N, K]
    munorm = jnp.sum(mu_c * mu_c, axis=2)                         # [N, K]
    lp_c = jnp.take(log_proportions, cand, axis=0)                # [N, K]
    scores = -0.5 * (xnorm[:, None] - 2.0 * cross + munorm) + lp_c

    # --- keep best n_candidates (re-impose invariant 1) ---
    top_vals, top_idx = jax.lax.top_k(scores, C)                  # [N, C]
    new_cand = jnp.take_along_axis(cand, top_idx, axis=1)         # [N, C]

    # --- unit occupancy counts (scatter-add, like np.add.at) ---
    counts = jnp.zeros((NU,), jnp.float32).at[new_cand.ravel()].add(1.0)
    return top_vals, new_cand, counts

if __name__ == "__main__":
    import jax
    _d = setup_inputs()
    print(jax.jit(kernel)(*tuple(_d.values())))

</pallas_src>

<mosaic_0001>
#map = affine_map<(d0, d1) -> (0)>
#map1 = affine_map<(d0, d1) -> (0, 0)>
module attributes {stable_mosaic.version = 14 : i64} {
  func.func @_body(%arg0: i32, %arg1: i32, %arg2: memref<8388608xf32, #tpu.memory_space<hbm>>, %arg3: memref<65536xf32, #tpu.memory_space<hbm>>, %arg4: memref<1024xf32, #tpu.memory_space<hbm>>, %arg5: memref<131072xi32, #tpu.memory_space<hbm>>, %arg6: memref<3072xi32, #tpu.memory_space<hbm>>, %arg7: memref<2048xi32, #tpu.memory_space<hbm>>, %arg8: memref<131072xi32, #tpu.memory_space<hbm>>, %arg9: memref<393216xf32, #tpu.memory_space<hbm>>, %arg10: memref<393216xi32, #tpu.memory_space<hbm>>, %arg11: memref<32x1024xf32, #tpu.memory_space<hbm>>, %arg12: memref<65536xf32, #tpu.memory_space<vmem>>, %arg13: memref<3072xi32, #tpu.memory_space<vmem>>, %arg14: memref<2048xi32, #tpu.memory_space<vmem>>, %arg15: memref<1024xf32, #tpu.memory_space<vmem>>, %arg16: memref<8192xf32, #tpu.memory_space<vmem>>, %arg17: memref<128xi32, #tpu.memory_space<vmem>>, %arg18: memref<128xi32, #tpu.memory_space<vmem>>, %arg19: memref<384xf32, #tpu.memory_space<vmem>>, %arg20: memref<384xi32, #tpu.memory_space<vmem>>, %arg21: memref<16384xf32, #tpu.memory_space<vmem>>, %arg22: memref<1024xf32, #tpu.memory_space<vmem>>) attributes {dimension_semantics = [#tpu.dimension_semantics<core_parallel>, #tpu.dimension_semantics<subcore_parallel>], iteration_bounds = array<i64: 2, 16>, scalar_prefetch = 0 : i64, scratch_operands = 11 : i64, tpu.core_type = #tpu.core_type<sc_vector_subcore>, window_params = [{transform_indices = #map}, {transform_indices = #map}, {transform_indices = #map}, {transform_indices = #map}, {transform_indices = #map}, {transform_indices = #map}, {transform_indices = #map}, {transform_indices = #map}, {transform_indices = #map}, {transform_indices = #map1}]} {
    %mul3A = arith.constant 2 : i32
    %mul3A_0 = arith.muli %arg1, %mul3A : i32
    %add3A = arith.addi %mul3A_0, %arg0 : i32
    %iota3A = tpu.iota {dimensions = array<i32: 0>} : vector<16xi32>
    %broadcast_in_dim3A = arith.constant 1.000000e+00 : f32
    %broadcast_in_dim3A_1 = vector.broadcast %broadcast_in_dim3A : f32 to vector<16xf32>
    %broadcast_in_dim3A_2 = arith.constant 0.000000e+00 : f32
    %broadcast_in_dim3A_3 = vector.broadcast %broadcast_in_dim3A_2 : f32 to vector<16xf32>
    %broadcast_in_dim3A_4 = arith.constant 0 : i32
    %broadcast_in_dim3A_5 = vector.broadcast %broadcast_in_dim3A_4 : i32 to vector<16xi32>
    "tpu.region"() ({
      %run_scoped3A = tpu.sem_alloc : memref<!tpu.dma_semaphore, #tpu.memory_space<semaphore_mem>>
      tpu.enqueue_dma source(%arg3 : memref<65536xf32, #tpu.memory_space<hbm>>) target(%arg12 : memref<65536xf32, #tpu.memory_space<vmem>>) target_semaphore(%run_scoped3A : memref<!tpu.dma_semaphore, #tpu.memory_space<semaphore_mem>>)
      tpu.wait_dma2 semaphore(%run_scoped3A : memref<!tpu.dma_semaphore, #tpu.memory_space<semaphore_mem>>) src(%arg3 : memref<65536xf32, #tpu.memory_space<hbm>>) dst(%arg12 : memref<65536xf32, #tpu.memory_space<vmem>>)
      tpu.yield
    }) : () -> ()
    "tpu.region"() ({
      %run_scoped3A = tpu.sem_alloc : memref<!tpu.dma_semaphore, #tpu.memory_space<semaphore_mem>>
      tpu.enqueue_dma source(%arg6 : memref<3072xi32, #tpu.memory_space<hbm>>) target(%arg13 : memref<3072xi32, #tpu.memory_space<vmem>>) target_semaphore(%run_scoped3A : memref<!tpu.dma_semaphore, #tpu.memory_space<semaphore_mem>>)
      tpu.wait_dma2 semaphore(%run_scoped3A : memref<!tpu.dma_semaphore, #tpu.memory_space<semaphore_mem>>) src(%arg6 : memref<3072xi32, #tpu.memory_space<hbm>>) dst(%arg13 : memref<3072xi32, #tpu.memory_space<vmem>>)
      tpu.yield
    }) : () -> ()
    "tpu.region"() ({
      %run_scoped3A = tpu.sem_alloc : memref<!tpu.dma_semaphore, #tpu.memory_space<semaphore_mem>>
      tpu.enqueue_dma source(%arg7 : memref<2048xi32, #tpu.memory_space<hbm>>) target(%arg14 : memref<2048xi32, #tpu.memory_space<vmem>>) target_semaphore(%run_scoped3A : memref<!tpu.dma_semaphore, #tpu.memory_space<semaphore_mem>>)
      tpu.wait_dma2 semaphore(%run_scoped3A : memref<!tpu.dma_semaphore, #tpu.memory_space<semaphore_mem>>) src(%arg7 : memref<2048xi32, #tpu.memory_space<hbm>>) dst(%arg14 : memref<2048xi32, #tpu.memory_space<vmem>>)
      tpu.yield
    }) : () -> ()
    "tpu.region"() ({
      %run_scoped3A = tpu.sem_alloc : memref<!tpu.dma_semaphore, #tpu.memory_space<semaphore_mem>>
      tpu.enqueue_dma source(%arg4 : memref<1024xf32, #tpu.memory_space<hbm>>) target(%arg15 : memref<1024xf32, #tpu.memory_space<vmem>>) target_semaphore(%run_scoped3A : memref<!tpu.dma_semaphore, #tpu.memory_space<semaphore_mem>>)
      tpu.wait_dma2 semaphore(%run_scoped3A : memref<!tpu.dma_semaphore, #tpu.memory_space<semaphore_mem>>) src(%arg4 : memref<1024xf32, #tpu.memory_space<hbm>>) dst(%arg15 : memref<1024xf32, #tpu.memory_space<vmem>>)
      tpu.yield
    }) : () -> ()
    %scan3A = arith.constant 0 : i32
    %scan3A_6 = arith.constant 64 : i32
    %scan3A_7 = arith.addi %scan3A, %scan3A_6 : i32
    %scan3A_8 = arith.constant 1 : i32
    scf.for %scan3A_25 = %scan3A to %scan3A_7 step %scan3A_8  : i32 {
      %mul3A_26 = arith.constant 1 : i32
      %mul3A_27 = arith.muli %scan3A_25, %mul3A_26 : i32
      %add3A_28 = arith.constant 0 : i32
      %add3A_29 = arith.addi %add3A_28, %mul3A_27 : i32
      %mul3A_30 = arith.constant 16 : i32
      %mul3A_31 = arith.muli %add3A_29, %mul3A_30 : i32
      %mul3A_32 = arith.constant 64 : i32
      %mul3A_33 = arith.muli %mul3A_31, %mul3A_32 : i32
      %mul3A_34 = arith.constant 64 : i32
      %mul3A_35 = vector.broadcast %mul3A_34 : i32 to vector<16xi32>
      %mul3A_36 = arith.muli %iota3A, %mul3A_35 : vector<16xi32>
      %add3A_37 = vector.broadcast %mul3A_33 : i32 to vector<16xi32>
      %add3A_38 = arith.addi %add3A_37, %mul3A_36 : vector<16xi32>
      %scan3A_39 = arith.constant 0 : i32
      %scan3A_40 = arith.constant 64 : i32
      %scan3A_41 = arith.addi %scan3A_39, %scan3A_40 : i32
      %scan3A_42 = arith.constant 1 : i32
      %scan3A_43 = scf.for %scan3A_54 = %scan3A_39 to %scan3A_41 step %scan3A_42 iter_args(%scan3A_55 = %broadcast_in_dim3A_3) -> (vector<16xf32>)  : i32 {
        %add3A_56 = vector.broadcast %scan3A_54 : i32 to vector<16xi32>
        %add3A_57 = arith.addi %add3A_38, %add3A_56 : vector<16xi32>
        %gather3A = tpu.vector_load_idx %arg12[%add3A_57] : memref<65536xf32, #tpu.memory_space<vmem>>[vector<16xi32>], vector<16xf32>,
        %mul3A_58 = arith.mulf %gather3A, %gather3A : vector<16xf32>
        %add3A_59 = arith.addf %scan3A_55, %mul3A_58 : vector<16xf32>
        scf.yield %add3A_59 : vector<16xf32>
      }
      %scan3A_44 = arith.constant 64 : i32
      %mul3A_45 = arith.constant 16 : i32
      %mul3A_46 = arith.muli %add3A_29, %mul3A_45 : i32
      %get3A = arith.index_cast %mul3A_46 : i32 to index
      %get3A_47 = tpu.vector_load %arg15[%get3A] {strides = array<i32>} : memref<1024xf32, #tpu.memory_space<vmem>>, vector<16xf32>,
      %mul3A_48 = arith.constant 5.000000e-01 : f32
      %mul3A_49 = vector.broadcast %mul3A_48 : f32 to vector<16xf32>
      %mul3A_50 = arith.mulf %mul3A_49, %scan3A_43 : vector<16xf32>
      %sub3A = arith.subf %get3A_47, %mul3A_50 : vector<16xf32>
      %mul3A_51 = arith.constant 16 : i32
      %mul3A_52 = arith.muli %add3A_29, %mul3A_51 : i32
      %swap3A = arith.index_cast %mul3A_52 : i32 to index
      %swap3A_53 = tpu.vector_load %arg15[%swap3A] {strides = array<i32>} : memref<1024xf32, #tpu.memory_space<vmem>>, vector<16xf32>,
      tpu.vector_store %arg15[%swap3A], %sub3A {strides = array<i32>} : memref<1024xf32, #tpu.memory_space<vmem>>, vector<16xf32>,
    }
    %scan3A_9 = arith.constant 64 : i32
    %scan3A_10 = arith.constant 0 : i32
    %scan3A_11 = arith.constant 1024 : i32
    %scan3A_12 = arith.addi %scan3A_10, %scan3A_11 : i32
    %scan3A_13 = arith.constant 1 : i32
    scf.for %scan3A_25 = %scan3A_10 to %scan3A_12 step %scan3A_13  : i32 {
      %mul3A_26 = arith.constant 1 : i32
      %mul3A_27 = arith.muli %scan3A_25, %mul3A_26 : i32
      %add3A_28 = arith.constant 0 : i32
      %add3A_29 = arith.addi %add3A_28, %mul3A_27 : i32
      %mul3A_30 = arith.constant 16 : i32
      %mul3A_31 = arith.muli %add3A_29, %mul3A_30 : i32
      %swap3A = arith.index_cast %mul3A_31 : i32 to index
      %swap3A_32 = tpu.vector_load %arg21[%swap3A] {strides = array<i32>} : memref<16384xf32, #tpu.memory_space<vmem>>, vector<16xf32>,
      tpu.vector_store %arg21[%swap3A], %broadcast_in_dim3A_3 {strides = array<i32>} : memref<16384xf32, #tpu.memory_space<vmem>>, vector<16xf32>,
    }
    %scan3A_14 = arith.constant 1024 : i32
    %scan3A_15 = arith.constant 0 : i32
    %scan3A_16 = arith.constant 32 : i32
    %scan3A_17 = arith.addi %scan3A_15, %scan3A_16 : i32
    %scan3A_18 = arith.constant 1 : i32
    scf.for %scan3A_25 = %scan3A_15 to %scan3A_17 step %scan3A_18  : i32 {
      %mul3A_26 = arith.constant 1 : i32
      %mul3A_27 = arith.muli %scan3A_25, %mul3A_26 : i32
      %add3A_28 = arith.constant 0 : i32
      %add3A_29 = arith.addi %add3A_28, %mul3A_27 : i32
      %mul3A_30 = arith.constant 32 : i32
      %mul3A_31 = arith.muli %add3A, %mul3A_30 : i32
      %add3A_32 = arith.addi %mul3A_31, %add3A_29 : i32
      %mul3A_33 = arith.constant 8 : i32
      %mul3A_34 = arith.muli %add3A_32, %mul3A_33 : i32
      %mul3A_35 = arith.constant 16 : i32
      %mul3A_36 = arith.muli %mul3A_34, %mul3A_35 : i32
      %mul3A_37 = arith.constant 64 : i32
      %mul3A_38 = arith.muli %mul3A_34, %mul3A_37 : i32
      %mul3A_39 = arith.constant 16 : i32
      %mul3A_40 = arith.muli %mul3A_38, %mul3A_39 : i32
      "tpu.region"() ({
        %run_scoped3A = tpu.sem_alloc : memref<!tpu.dma_semaphore, #tpu.memory_space<semaphore_mem>>
        %dma_start3A = tpu.memref_slice %arg2[%mul3A_40] : memref<8388608xf32, #tpu.memory_space<hbm>> -> memref<8192xf32, #tpu.memory_space<hbm>>
        %dma_start3A_54 = tpu.memref_slice %arg2[%mul3A_40] : memref<8388608xf32, #tpu.memory_space<hbm>> -> memref<8192xf32, #tpu.memory_space<hbm>>
        tpu.enqueue_dma source(%dma_start3A_54 : memref<8192xf32, #tpu.memory_space<hbm>>) target(%arg16 : memref<8192xf32, #tpu.memory_space<vmem>>) target_semaphore(%run_scoped3A : memref<!tpu.dma_semaphore, #tpu.memory_space<semaphore_mem>>)
        %dma_wait3A = tpu.memref_slice %arg2[%mul3A_40] : memref<8388608xf32, #tpu.memory_space<hbm>> -> memref<8192xf32, #tpu.memory_space<hbm>>
        %dma_wait3A_55 = tpu.memref_slice %arg2[%mul3A_40] : memref<8388608xf32, #tpu.memory_space<hbm>> -> memref<8192xf32, #tpu.memory_space<hbm>>
        tpu.wait_dma2 semaphore(%run_scoped3A : memref<!tpu.dma_semaphore, #tpu.memory_space<semaphore_mem>>) src(%dma_wait3A_55 : memref<8192xf32, #tpu.memory_space<hbm>>) dst(%arg16 : memref<8192xf32, #tpu.memory_space<vmem>>)
        tpu.yield
      }) : () -> ()
      "tpu.region"() ({
        %run_scoped3A = tpu.sem_alloc : memref<!tpu.dma_semaphore, #tpu.memory_space<semaphore_mem>>
        %dma_start3A = tpu.memref_slice %arg5[%mul3A_36] : memref<131072xi32, #tpu.memory_space<hbm>> -> memref<128xi32, #tpu.memory_space<hbm>>
        %dma_start3A_54 = tpu.memref_slice %arg5[%mul3A_36] : memref<131072xi32, #tpu.memory_space<hbm>> -> memref<128xi32, #tpu.memory_space<hbm>>
        tpu.enqueue_dma source(%dma_start3A_54 : memref<128xi32, #tpu.memory_space<hbm>>) target(%arg17 : memref<128xi32, #tpu.memory_space<vmem>>) target_semaphore(%run_scoped3A : memref<!tpu.dma_semaphore, #tpu.memory_space<semaphore_mem>>)
        %dma_wait3A = tpu.memref_slice %arg5[%mul3A_36] : memref<131072xi32, #tpu.memory_space<hbm>> -> memref<128xi32, #tpu.memory_space<hbm>>
        %dma_wait3A_55 = tpu.memref_slice %arg5[%mul3A_36] : memref<131072xi32, #tpu.memory_space<hbm>> -> memref<128xi32, #tpu.memory_space<hbm>>
        tpu.wait_dma2 semaphore(%run_scoped3A : memref<!tpu.dma_semaphore, #tpu.memory_space<semaphore_mem>>) src(%dma_wait3A_55 : memref<128xi32, #tpu.memory_space<hbm>>) dst(%arg17 : memref<128xi32, #tpu.memory_space<vmem>>)
        tpu.yield
      }) : () -> ()
      "tpu.region"() ({
        %run_scoped3A = tpu.sem_alloc : memref<!tpu.dma_semaphore, #tpu.memory_space<semaphore_mem>>
        %dma_start3A = tpu.memref_slice %arg8[%mul3A_36] : memref<131072xi32, #tpu.memory_space<hbm>> -> memref<128xi32, #tpu.memory_space<hbm>>
        %dma_start3A_54 = tpu.memref_slice %arg8[%mul3A_36] : memref<131072xi32, #tpu.memory_space<hbm>> -> memref<128xi32, #tpu.memory_space<hbm>>
        tpu.enqueue_dma source(%dma_start3A_54 : memref<128xi32, #tpu.memory_space<hbm>>) target(%arg18 : memref<128xi32, #tpu.memory_space<vmem>>) target_semaphore(%run_scoped3A : memref<!tpu.dma_semaphore, #tpu.memory_space<semaphore_mem>>)
        %dma_wait3A = tpu.memref_slice %arg8[%mul3A_36] : memref<131072xi32, #tpu.memory_space<hbm>> -> memref<128xi32, #tpu.memory_space<hbm>>
        %dma_wait3A_55 = tpu.memref_slice %arg8[%mul3A_36] : memref<131072xi32, #tpu.memory_space<hbm>> -> memref<128xi32, #tpu.memory_space<hbm>>
        tpu.wait_dma2 semaphore(%run_scoped3A : memref<!tpu.dma_semaphore, #tpu.memory_space<semaphore_mem>>) src(%dma_wait3A_55 : memref<128xi32, #tpu.memory_space<hbm>>) dst(%arg18 : memref<128xi32, #tpu.memory_space<vmem>>)
        tpu.yield
      }) : () -> ()
      %scan3A_41 = arith.constant 0 : i32
      %scan3A_42 = arith.constant 8 : i32
      %scan3A_43 = arith.addi %scan3A_41, %scan3A_42 : i32
      %scan3A_44 = arith.constant 1 : i32
      scf.for %scan3A_54 = %scan3A_41 to %scan3A_43 step %scan3A_44  : i32 {
        %mul3A_55 = arith.constant 1 : i32
        %mul3A_56 = arith.muli %scan3A_54, %mul3A_55 : i32
        %add3A_57 = arith.constant 0 : i32
        %add3A_58 = arith.addi %add3A_57, %mul3A_56 : i32
        %mul3A_59 = arith.constant 16 : i32
        %mul3A_60 = arith.muli %add3A_58, %mul3A_59 : i32
        %get3A = arith.index_cast %mul3A_60 : i32 to index
        %get3A_61 = tpu.vector_load %arg17[%get3A] {strides = array<i32>} : memref<128xi32, #tpu.memory_space<vmem>>, vector<16xi32>,
        %mul3A_62 = arith.constant 3 : i32
        %mul3A_63 = vector.broadcast %mul3A_62 : i32 to vector<16xi32>
        %mul3A_64 = arith.muli %get3A_61, %mul3A_63 : vector<16xi32>
        %add3A_65 = arith.constant 0 : i32
        %add3A_66 = vector.broadcast %add3A_65 : i32 to vector<16xi32>
        %add3A_67 = arith.addi %mul3A_64, %add3A_66 : vector<16xi32>
        %gather3A = tpu.vector_load_idx %arg13[%add3A_67] : memref<3072xi32, #tpu.memory_space<vmem>>[vector<16xi32>], vector<16xi32>,
        %mul3A_68 = arith.constant 3 : i32
        %mul3A_69 = vector.broadcast %mul3A_68 : i32 to vector<16xi32>
        %mul3A_70 = arith.muli %get3A_61, %mul3A_69 : vector<16xi32>
        %add3A_71 = arith.constant 1 : i32
        %add3A_72 = vector.broadcast %add3A_71 : i32 to vector<16xi32>
        %add3A_73 = arith.addi %mul3A_70, %add3A_72 : vector<16xi32>
        %gather3A_74 = tpu.vector_load_idx %arg13[%add3A_73] : memref<3072xi32, #tpu.memory_space<vmem>>[vector<16xi32>], vector<16xi32>,
        %mul3A_75 = arith.constant 3 : i32
        %mul3A_76 = vector.broadcast %mul3A_75 : i32 to vector<16xi32>
        %mul3A_77 = arith.muli %get3A_61, %mul3A_76 : vector<16xi32>
        %add3A_78 = arith.constant 2 : i32
        %add3A_79 = vector.broadcast %add3A_78 : i32 to vector<16xi32>
        %add3A_80 = arith.addi %mul3A_77, %add3A_79 : vector<16xi32>
        %gather3A_81 = tpu.vector_load_idx %arg13[%add3A_80] : memref<3072xi32, #tpu.memory_space<vmem>>[vector<16xi32>], vector<16xi32>,
        %mul3A_82 = arith.constant 2 : i32
        %mul3A_83 = vector.broadcast %mul3A_82 : i32 to vector<16xi32>
        %mul3A_84 = arith.muli %gather3A, %mul3A_83 : vector<16xi32>
        %add3A_85 = arith.constant 0 : i32
        %add3A_86 = vector.broadcast %add3A_85 : i32 to vector<16xi32>
        %add3A_87 = arith.addi %mul3A_84, %add3A_86 : vector<16xi32>
        %gather3A_88 = tpu.vector_load_idx %arg14[%add3A_87] : memref<2048xi32, #tpu.memory_space<vmem>>[vector<16xi32>], vector<16xi32>,
        %mul3A_89 = arith.constant 2 : i32
        %mul3A_90 = vector.broadcast %mul3A_89 : i32 to vector<16xi32>
        %mul3A_91 = arith.muli %gather3A, %mul3A_90 : vector<16xi32>
        %add3A_92 = arith.constant 1 : i32
        %add3A_93 = vector.broadcast %add3A_92 : i32 to vector<16xi32>
        %add3A_94 = arith.addi %mul3A_91, %add3A_93 : vector<16xi32>
        %gather3A_95 = tpu.vector_load_idx %arg14[%add3A_94] : memref<2048xi32, #tpu.memory_space<vmem>>[vector<16xi32>], vector<16xi32>,
        %mul3A_96 = arith.constant 2 : i32
        %mul3A_97 = vector.broadcast %mul3A_96 : i32 to vector<16xi32>
        %mul3A_98 = arith.muli %gather3A_74, %mul3A_97 : vector<16xi32>
        %add3A_99 = arith.constant 0 : i32
        %add3A_100 = vector.broadcast %add3A_99 : i32 to vector<16xi32>
        %add3A_101 = arith.addi %mul3A_98, %add3A_100 : vector<16xi32>
        %gather3A_102 = tpu.vector_load_idx %arg14[%add3A_101] : memref<2048xi32, #tpu.memory_space<vmem>>[vector<16xi32>], vector<16xi32>,
        %mul3A_103 = arith.constant 2 : i32
        %mul3A_104 = vector.broadcast %mul3A_103 : i32 to vector<16xi32>
        %mul3A_105 = arith.muli %gather3A_74, %mul3A_104 : vector<16xi32>
        %add3A_106 = arith.constant 1 : i32
        %add3A_107 = vector.broadcast %add3A_106 : i32 to vector<16xi32>
        %add3A_108 = arith.addi %mul3A_105, %add3A_107 : vector<16xi32>
        %gather3A_109 = tpu.vector_load_idx %arg14[%add3A_108] : memref<2048xi32, #tpu.memory_space<vmem>>[vector<16xi32>], vector<16xi32>,
        %mul3A_110 = arith.constant 2 : i32
        %mul3A_111 = vector.broadcast %mul3A_110 : i32 to vector<16xi32>
        %mul3A_112 = arith.muli %gather3A_81, %mul3A_111 : vector<16xi32>
        %add3A_113 = arith.constant 0 : i32
        %add3A_114 = vector.broadcast %add3A_113 : i32 to vector<16xi32>
        %add3A_115 = arith.addi %mul3A_112, %add3A_114 : vector<16xi32>
        %gather3A_116 = tpu.vector_load_idx %arg14[%add3A_115] : memref<2048xi32, #tpu.memory_space<vmem>>[vector<16xi32>], vector<16xi32>,
        %mul3A_117 = arith.constant 2 : i32
        %mul3A_118 = vector.broadcast %mul3A_117 : i32 to vector<16xi32>
        %mul3A_119 = arith.muli %gather3A_81, %mul3A_118 : vector<16xi32>
        %add3A_120 = arith.constant 1 : i32
        %add3A_121 = vector.broadcast %add3A_120 : i32 to vector<16xi32>
        %add3A_122 = arith.addi %mul3A_119, %add3A_121 : vector<16xi32>
        %gather3A_123 = tpu.vector_load_idx %arg14[%add3A_122] : memref<2048xi32, #tpu.memory_space<vmem>>[vector<16xi32>], vector<16xi32>,
        %mul3A_124 = arith.constant 16 : i32
        %mul3A_125 = arith.muli %add3A_58, %mul3A_124 : i32
        %get3A_126 = arith.index_cast %mul3A_125 : i32 to index
        %get3A_127 = tpu.vector_load %arg18[%get3A_126] {strides = array<i32>} : memref<128xi32, #tpu.memory_space<vmem>>, vector<16xi32>,
        %gather3A_128 = tpu.vector_load_idx %arg15[%gather3A] : memref<1024xf32, #tpu.memory_space<vmem>>[vector<16xi32>], vector<16xf32>,
        %gather3A_129 = tpu.vector_load_idx %arg15[%gather3A_74] : memref<1024xf32, #tpu.memory_space<vmem>>[vector<16xi32>], vector<16xf32>,
        %gather3A_130 = tpu.vector_load_idx %arg15[%gather3A_81] : memref<1024xf32, #tpu.memory_space<vmem>>[vector<16xi32>], vector<16xf32>,
        %gather3A_131 = tpu.vector_load_idx %arg15[%gather3A_88] : memref<1024xf32, #tpu.memory_space<vmem>>[vector<16xi32>], vector<16xf32>,
        %gather3A_132 = tpu.vector_load_idx %arg15[%gather3A_95] : memref<1024xf32, #tpu.memory_space<vmem>>[vector<16xi32>], vector<16xf32>,
        %gather3A_133 = tpu.vector_load_idx %arg15[%gather3A_102] : memref<1024xf32, #tpu.memory_space<vmem>>[vector<16xi32>], vector<16xf32>,
        %gather3A_134 = tpu.vector_load_idx %arg15[%gather3A_109] : memref<1024xf32, #tpu.memory_space<vmem>>[vector<16xi32>], vector<16xf32>,
        %gather3A_135 = tpu.vector_load_idx %arg15[%gather3A_116] : memref<1024xf32, #tpu.memory_space<vmem>>[vector<16xi32>], vector<16xf32>,
        %gather3A_136 = tpu.vector_load_idx %arg15[%gather3A_123] : memref<1024xf32, #tpu.memory_space<vmem>>[vector<16xi32>], vector<16xf32>,
        %gather3A_137 = tpu.vector_load_idx %arg15[%get3A_127] : memref<1024xf32, #tpu.memory_space<vmem>>[vector<16xi32>], vector<16xf32>,
        %mul3A_138 = arith.constant 64 : i32
        %mul3A_139 = vector.broadcast %mul3A_138 : i32 to vector<16xi32>
        %mul3A_140 = arith.muli %gather3A, %mul3A_139 : vector<16xi32>
        %mul3A_141 = arith.constant 64 : i32
        %mul3A_142 = vector.broadcast %mul3A_141 : i32 to vector<16xi32>
        %mul3A_143 = arith.muli %gather3A_74, %mul3A_142 : vector<16xi32>
        %mul3A_144 = arith.constant 64 : i32
        %mul3A_145 = vector.broadcast %mul3A_144 : i32 to vector<16xi32>
        %mul3A_146 = arith.muli %gather3A_81, %mul3A_145 : vector<16xi32>
        %mul3A_147 = arith.constant 64 : i32
        %mul3A_148 = vector.broadcast %mul3A_147 : i32 to vector<16xi32>
        %mul3A_149 = arith.muli %gather3A_88, %mul3A_148 : vector<16xi32>
        %mul3A_150 = arith.constant 64 : i32
        %mul3A_151 = vector.broadcast %mul3A_150 : i32 to vector<16xi32>
        %mul3A_152 = arith.muli %gather3A_95, %mul3A_151 : vector<16xi32>
        %mul3A_153 = arith.constant 64 : i32
        %mul3A_154 = vector.broadcast %mul3A_153 : i32 to vector<16xi32>
        %mul3A_155 = arith.muli %gather3A_102, %mul3A_154 : vector<16xi32>
        %mul3A_156 = arith.constant 64 : i32
        %mul3A_157 = vector.broadcast %mul3A_156 : i32 to vector<16xi32>
        %mul3A_158 = arith.muli %gather3A_109, %mul3A_157 : vector<16xi32>
        %mul3A_159 = arith.constant 64 : i32
        %mul3A_160 = vector.broadcast %mul3A_159 : i32 to vector<16xi32>
        %mul3A_161 = arith.muli %gather3A_116, %mul3A_160 : vector<16xi32>
        %mul3A_162 = arith.constant 64 : i32
        %mul3A_163 = vector.broadcast %mul3A_162 : i32 to vector<16xi32>
        %mul3A_164 = arith.muli %gather3A_123, %mul3A_163 : vector<16xi32>
        %mul3A_165 = arith.constant 64 : i32
        %mul3A_166 = vector.broadcast %mul3A_165 : i32 to vector<16xi32>
        %mul3A_167 = arith.muli %get3A_127, %mul3A_166 : vector<16xi32>
        %scan3A_168 = arith.constant 0 : i32
        %scan3A_169 = arith.constant 64 : i32
        %scan3A_170 = arith.addi %scan3A_168, %scan3A_169 : i32
        %scan3A_171 = arith.constant 1 : i32
        %scan3A_172:11 = scf.for %scan3A_593 = %scan3A_168 to %scan3A_170 step %scan3A_171 iter_args(%scan3A_594 = %broadcast_in_dim3A_3, %scan3A_595 = %broadcast_in_dim3A_3, %scan3A_596 = %broadcast_in_dim3A_3, %scan3A_597 = %broadcast_in_dim3A_3, %scan3A_598 = %broadcast_in_dim3A_3, %scan3A_599 = %broadcast_in_dim3A_3, %scan3A_600 = %broadcast_in_dim3A_3, %scan3A_601 = %broadcast_in_dim3A_3, %scan3A_602 = %broadcast_in_dim3A_3, %scan3A_603 = %broadcast_in_dim3A_3, %scan3A_604 = %broadcast_in_dim3A_3) -> (vector<16xf32>, vector<16xf32>, vector<16xf32>, vector<16xf32>, vector<16xf32>, vector<16xf32>, vector<16xf32>, vector<16xf32>, vector<16xf32>, vector<16xf32>, vector<16xf32>)  : i32 {
          %mul3A_605 = arith.constant 64 : i32
          %mul3A_606 = arith.muli %add3A_58, %mul3A_605 : i32
          %add3A_607 = arith.addi %mul3A_606, %scan3A_593 : i32
          %mul3A_608 = arith.constant 16 : i32
          %mul3A_609 = arith.muli %add3A_607, %mul3A_608 : i32
          %get3A_610 = arith.index_cast %mul3A_609 : i32 to index
          %get3A_611 = tpu.vector_load %arg16[%get3A_610] {strides = array<i32>} : memref<8192xf32, #tpu.memory_space<vmem>>, vector<16xf32>,
          %mul3A_612 = arith.mulf %get3A_611, %get3A_611 : vector<16xf32>
          %add3A_613 = arith.addf %scan3A_594, %mul3A_612 : vector<16xf32>
          %add3A_614 = vector.broadcast %scan3A_593 : i32 to vector<16xi32>
          %add3A_615 = arith.addi %mul3A_140, %add3A_614 : vector<16xi32>
          %gather3A_616 = tpu.vector_load_idx %arg12[%add3A_615] : memref<65536xf32, #tpu.memory_space<vmem>>[vector<16xi32>], vector<16xf32>,
          %mul3A_617 = arith.mulf %get3A_611, %gather3A_616 : vector<16xf32>
          %add3A_618 = arith.addf %scan3A_595, %mul3A_617 : vector<16xf32>
          %add3A_619 = vector.broadcast %scan3A_593 : i32 to vector<16xi32>
          %add3A_620 = arith.addi %mul3A_143, %add3A_619 : vector<16xi32>
          %gather3A_621 = tpu.vector_load_idx %arg12[%add3A_620] : memref<65536xf32, #tpu.memory_space<vmem>>[vector<16xi32>], vector<16xf32>,
          %mul3A_622 = arith.mulf %get3A_611, %gather3A_621 : vector<16xf32>
          %add3A_623 = arith.addf %scan3A_596, %mul3A_622 : vector<16xf32>
          %add3A_624 = vector.broadcast %scan3A_593 : i32 to vector<16xi32>
          %add3A_625 = arith.addi %mul3A_146, %add3A_624 : vector<16xi32>
          %gather3A_626 = tpu.vector_load_idx %arg12[%add3A_625] : memref<65536xf32, #tpu.memory_space<vmem>>[vector<16xi32>], vector<16xf32>,
          %mul3A_627 = arith.mulf %get3A_611, %gather3A_626 : vector<16xf32>
          %add3A_628 = arith.addf %scan3A_597, %mul3A_627 : vector<16xf32>
          %add3A_629 = vector.broadcast %scan3A_593 : i32 to vector<16xi32>
          %add3A_630 = arith.addi %mul3A_149, %add3A_629 : vector<16xi32>
          %gather3A_631 = tpu.vector_load_idx %arg12[%add3A_630] : memref<65536xf32, #tpu.memory_space<vmem>>[vector<16xi32>], vector<16xf32>,
          %mul3A_632 = arith.mulf %get3A_611, %gather3A_631 : vector<16xf32>
          %add3A_633 = arith.addf %scan3A_598, %mul3A_632 : vector<16xf32>
          %add3A_634 = vector.broadcast %scan3A_593 : i32 to vector<16xi32>
          %add3A_635 = arith.addi %mul3A_152, %add3A_634 : vector<16xi32>
          %gather3A_636 = tpu.vector_load_idx %arg12[%add3A_635] : memref<65536xf32, #tpu.memory_space<vmem>>[vector<16xi32>], vector<16xf32>,
          %mul3A_637 = arith.mulf %get3A_611, %gather3A_636 : vector<16xf32>
          %add3A_638 = arith.addf %scan3A_599, %mul3A_637 : vector<16xf32>
          %add3A_639 = vector.broadcast %scan3A_593 : i32 to vector<16xi32>
          %add3A_640 = arith.addi %mul3A_155, %add3A_639 : vector<16xi32>
          %gather3A_641 = tpu.vector_load_idx %arg12[%add3A_640] : memref<65536xf32, #tpu.memory_space<vmem>>[vector<16xi32>], vector<16xf32>,
          %mul3A_642 = arith.mulf %get3A_611, %gather3A_641 : vector<16xf32>
          %add3A_643 = arith.addf %scan3A_600, %mul3A_642 : vector<16xf32>
          %add3A_644 = vector.broadcast %scan3A_593 : i32 to vector<16xi32>
          %add3A_645 = arith.addi %mul3A_158, %add3A_644 : vector<16xi32>
          %gather3A_646 = tpu.vector_load_idx %arg12[%add3A_645] : memref<65536xf32, #tpu.memory_space<vmem>>[vector<16xi32>], vector<16xf32>,
          %mul3A_647 = arith.mulf %get3A_611, %gather3A_646 : vector<16xf32>
          %add3A_648 = arith.addf %scan3A_601, %mul3A_647 : vector<16xf32>
          %add3A_649 = vector.broadcast %scan3A_593 : i32 to vector<16xi32>
          %add3A_650 = arith.addi %mul3A_161, %add3A_649 : vector<16xi32>
          %gather3A_651 = tpu.vector_load_idx %arg12[%add3A_650] : memref<65536xf32, #tpu.memory_space<vmem>>[vector<16xi32>], vector<16xf32>,
          %mul3A_652 = arith.mulf %get3A_611, %gather3A_651 : vector<16xf32>
          %add3A_653 = arith.addf %scan3A_602, %mul3A_652 : vector<16xf32>
          %add3A_654 = vector.broadcast %scan3A_593 : i32 to vector<16xi32>
          %add3A_655 = arith.addi %mul3A_164, %add3A_654 : vector<16xi32>
          %gather3A_656 = tpu.vector_load_idx %arg12[%add3A_655] : memref<65536xf32, #tpu.memory_space<vmem>>[vector<16xi32>], vector<16xf32>,
          %mul3A_657 = arith.mulf %get3A_611, %gather3A_656 : vector<16xf32>
          %add3A_658 = arith.addf %scan3A_603, %mul3A_657 : vector<16xf32>
          %add3A_659 = vector.broadcast %scan3A_593 : i32 to vector<16xi32>
          %add3A_660 = arith.addi %mul3A_167, %add3A_659 : vector<16xi32>
          %gather3A_661 = tpu.vector_load_idx %arg12[%add3A_660] : memref<65536xf32, #tpu.memory_space<vmem>>[vector<16xi32>], vector<16xf32>,
          %mul3A_662 = arith.mulf %get3A_611, %gather3A_661 : vector<16xf32>
          %add3A_663 = arith.addf %scan3A_604, %mul3A_662 : vector<16xf32>
          scf.yield %add3A_613, %add3A_618, %add3A_623, %add3A_628, %add3A_633, %add3A_638, %add3A_643, %add3A_648, %add3A_653, %add3A_658, %add3A_663 : vector<16xf32>, vector<16xf32>, vector<16xf32>, vector<16xf32>, vector<16xf32>, vector<16xf32>, vector<16xf32>, vector<16xf32>, vector<16xf32>, vector<16xf32>, vector<16xf32>
        }
        %scan3A_173 = arith.constant 64 : i32
        %mul3A_174 = arith.constant 5.000000e-01 : f32
        %mul3A_175 = vector.broadcast %mul3A_174 : f32 to vector<16xf32>
        %mul3A_176 = arith.mulf %mul3A_175, %scan3A_172#0 : vector<16xf32>
        %sub3A = arith.subf %scan3A_172#1, %mul3A_176 : vector<16xf32>
        %add3A_177 = arith.addf %sub3A, %gather3A_128 : vector<16xf32>
        %mul3A_178 = arith.constant 5.000000e-01 : f32
        %mul3A_179 = vector.broadcast %mul3A_178 : f32 to vector<16xf32>
        %mul3A_180 = arith.mulf %mul3A_179, %scan3A_172#0 : vector<16xf32>
        %sub3A_181 = arith.subf %scan3A_172#2, %mul3A_180 : vector<16xf32>
        %add3A_182 = arith.addf %sub3A_181, %gather3A_129 : vector<16xf32>
        %mul3A_183 = arith.constant 5.000000e-01 : f32
        %mul3A_184 = vector.broadcast %mul3A_183 : f32 to vector<16xf32>
        %mul3A_185 = arith.mulf %mul3A_184, %scan3A_172#0 : vector<16xf32>
        %sub3A_186 = arith.subf %scan3A_172#3, %mul3A_185 : vector<16xf32>
        %add3A_187 = arith.addf %sub3A_186, %gather3A_130 : vector<16xf32>
        %mul3A_188 = arith.constant 5.000000e-01 : f32
        %mul3A_189 = vector.broadcast %mul3A_188 : f32 to vector<16xf32>
        %mul3A_190 = arith.mulf %mul3A_189, %scan3A_172#0 : vector<16xf32>
        %sub3A_191 = arith.subf %scan3A_172#4, %mul3A_190 : vector<16xf32>
        %add3A_192 = arith.addf %sub3A_191, %gather3A_131 : vector<16xf32>
        %mul3A_193 = arith.constant 5.000000e-01 : f32
        %mul3A_194 = vector.broadcast %mul3A_193 : f32 to vector<16xf32>
        %mul3A_195 = arith.mulf %mul3A_194, %scan3A_172#0 : vector<16xf32>
        %sub3A_196 = arith.subf %scan3A_172#5, %mul3A_195 : vector<16xf32>
        %add3A_197 = arith.addf %sub3A_196, %gather3A_132 : vector<16xf32>
        %mul3A_198 = arith.constant 5.000000e-01 : f32
        %mul3A_199 = vector.broadcast %mul3A_198 : f32 to vector<16xf32>
        %mul3A_200 = arith.mulf %mul3A_199, %scan3A_172#0 : vector<16xf32>
        %sub3A_201 = arith.subf %scan3A_172#6, %mul3A_200 : vector<16xf32>
        %add3A_202 = arith.addf %sub3A_201, %gather3A_133 : vector<16xf32>
        %mul3A_203 = arith.constant 5.000000e-01 : f32
        %mul3A_204 = vector.broadcast %mul3A_203 : f32 to vector<16xf32>
        %mul3A_205 = arith.mulf %mul3A_204, %scan3A_172#0 : vector<16xf32>
        %sub3A_206 = arith.subf %scan3A_172#7, %mul3A_205 : vector<16xf32>
        %add3A_207 = arith.addf %sub3A_206, %gather3A_134 : vector<16xf32>
        %mul3A_208 = arith.constant 5.000000e-01 : f32
        %mul3A_209 = vector.broadcast %mul3A_208 : f32 to vector<16xf32>
        %mul3A_210 = arith.mulf %mul3A_209, %scan3A_172#0 : vector<16xf32>
        %sub3A_211 = arith.subf %scan3A_172#8, %mul3A_210 : vector<16xf32>
        %add3A_212 = arith.addf %sub3A_211, %gather3A_135 : vector<16xf32>
        %mul3A_213 = arith.constant 5.000000e-01 : f32
        %mul3A_214 = vector.broadcast %mul3A_213 : f32 to vector<16xf32>
        %mul3A_215 = arith.mulf %mul3A_214, %scan3A_172#0 : vector<16xf32>
        %sub3A_216 = arith.subf %scan3A_172#9, %mul3A_215 : vector<16xf32>
        %add3A_217 = arith.addf %sub3A_216, %gather3A_136 : vector<16xf32>
        %mul3A_218 = arith.constant 5.000000e-01 : f32
        %mul3A_219 = vector.broadcast %mul3A_218 : f32 to vector<16xf32>
        %mul3A_220 = arith.mulf %mul3A_219, %scan3A_172#0 : vector<16xf32>
        %sub3A_221 = arith.subf %scan3A_172#10, %mul3A_220 : vector<16xf32>
        %add3A_222 = arith.addf %sub3A_221, %gather3A_137 : vector<16xf32>
        %gt3A = arith.cmpf ogt, %add3A_182, %add3A_177 : vector<16xf32>
        %select_n3A = arith.select %gt3A, %add3A_182, %add3A_177 : vector<16xi1>, vector<16xf32>
        %jit3A = arith.constant 1 : i32
        %broadcast_in_dim3A_223 = vector.broadcast %jit3A : i32 to vector<16xi32>
        %select_n3A_224 = arith.select %gt3A, %broadcast_in_dim3A_223, %broadcast_in_dim3A_5 : vector<16xi1>, vector<16xi32>
        %gt3A_225 = arith.cmpf ogt, %add3A_187, %select_n3A : vector<16xf32>
        %select_n3A_226 = arith.select %gt3A_225, %add3A_187, %select_n3A : vector<16xi1>, vector<16xf32>
        %jit3A_227 = arith.constant 2 : i32
        %broadcast_in_dim3A_228 = vector.broadcast %jit3A_227 : i32 to vector<16xi32>
        %select_n3A_229 = arith.select %gt3A_225, %broadcast_in_dim3A_228, %select_n3A_224 : vector<16xi1>, vector<16xi32>
        %gt3A_230 = arith.cmpf ogt, %add3A_192, %select_n3A_226 : vector<16xf32>
        %select_n3A_231 = arith.select %gt3A_230, %add3A_192, %select_n3A_226 : vector<16xi1>, vector<16xf32>
        %jit3A_232 = arith.constant 3 : i32
        %broadcast_in_dim3A_233 = vector.broadcast %jit3A_232 : i32 to vector<16xi32>
        %select_n3A_234 = arith.select %gt3A_230, %broadcast_in_dim3A_233, %select_n3A_229 : vector<16xi1>, vector<16xi32>
        %gt3A_235 = arith.cmpf ogt, %add3A_197, %select_n3A_231 : vector<16xf32>
        %select_n3A_236 = arith.select %gt3A_235, %add3A_197, %select_n3A_231 : vector<16xi1>, vector<16xf32>
        %jit3A_237 = arith.constant 4 : i32
        %broadcast_in_dim3A_238 = vector.broadcast %jit3A_237 : i32 to vector<16xi32>
        %select_n3A_239 = arith.select %gt3A_235, %broadcast_in_dim3A_238, %select_n3A_234 : vector<16xi1>, vector<16xi32>
        %gt3A_240 = arith.cmpf ogt, %add3A_202, %select_n3A_236 : vector<16xf32>
        %select_n3A_241 = arith.select %gt3A_240, %add3A_202, %select_n3A_236 : vector<16xi1>, vector<16xf32>
        %jit3A_242 = arith.constant 5 : i32
        %broadcast_in_dim3A_243 = vector.broadcast %jit3A_242 : i32 to vector<16xi32>
        %select_n3A_244 = arith.select %gt3A_240, %broadcast_in_dim3A_243, %select_n3A_239 : vector<16xi1>, vector<16xi32>
        %gt3A_245 = arith.cmpf ogt, %add3A_207, %select_n3A_241 : vector<16xf32>
        %select_n3A_246 = arith.select %gt3A_245, %add3A_207, %select_n3A_241 : vector<16xi1>, vector<16xf32>
        %jit3A_247 = arith.constant 6 : i32
        %broadcast_in_dim3A_248 = vector.broadcast %jit3A_247 : i32 to vector<16xi32>
        %select_n3A_249 = arith.select %gt3A_245, %broadcast_in_dim3A_248, %select_n3A_244 : vector<16xi1>, vector<16xi32>
        %gt3A_250 = arith.cmpf ogt, %add3A_212, %select_n3A_246 : vector<16xf32>
        %select_n3A_251 = arith.select %gt3A_250, %add3A_212, %select_n3A_246 : vector<16xi1>, vector<16xf32>
        %jit3A_252 = arith.constant 7 : i32
        %broadcast_in_dim3A_253 = vector.broadcast %jit3A_252 : i32 to vector<16xi32>
        %select_n3A_254 = arith.select %gt3A_250, %broadcast_in_dim3A_253, %select_n3A_249 : vector<16xi1>, vector<16xi32>
        %gt3A_255 = arith.cmpf ogt, %add3A_217, %select_n3A_251 : vector<16xf32>
        %select_n3A_256 = arith.select %gt3A_255, %add3A_217, %select_n3A_251 : vector<16xi1>, vector<16xf32>
        %jit3A_257 = arith.constant 8 : i32
        %broadcast_in_dim3A_258 = vector.broadcast %jit3A_257 : i32 to vector<16xi32>
        %select_n3A_259 = arith.select %gt3A_255, %broadcast_in_dim3A_258, %select_n3A_254 : vector<16xi1>, vector<16xi32>
        %gt3A_260 = arith.cmpf ogt, %add3A_222, %select_n3A_256 : vector<16xf32>
        %select_n3A_261 = arith.select %gt3A_260, %add3A_222, %select_n3A_256 : vector<16xi1>, vector<16xf32>
        %jit3A_262 = arith.constant 9 : i32
        %broadcast_in_dim3A_263 = vector.broadcast %jit3A_262 : i32 to vector<16xi32>
        %select_n3A_264 = arith.select %gt3A_260, %broadcast_in_dim3A_263, %select_n3A_259 : vector<16xi1>, vector<16xi32>
        %eq3A = arith.constant 0 : i32
        %eq3A_265 = vector.broadcast %eq3A : i32 to vector<16xi32>
        %eq3A_266 = arith.cmpi eq, %select_n3A_264, %eq3A_265 : vector<16xi32>
        %select_n3A_267 = arith.select %eq3A_266, %gather3A, %broadcast_in_dim3A_5 : vector<16xi1>, vector<16xi32>
        %jit3A_268 = arith.constant -1.000000e+30 : f32
        %broadcast_in_dim3A_269 = vector.broadcast %jit3A_268 : f32 to vector<16xf32>
        %select_n3A_270 = arith.select %eq3A_266, %broadcast_in_dim3A_269, %add3A_177 : vector<16xi1>, vector<16xf32>
        %eq3A_271 = arith.constant 1 : i32
        %eq3A_272 = vector.broadcast %eq3A_271 : i32 to vector<16xi32>
        %eq3A_273 = arith.cmpi eq, %select_n3A_264, %eq3A_272 : vector<16xi32>
        %select_n3A_274 = arith.select %eq3A_273, %gather3A_74, %select_n3A_267 : vector<16xi1>, vector<16xi32>
        %jit3A_275 = arith.constant -1.000000e+30 : f32
        %broadcast_in_dim3A_276 = vector.broadcast %jit3A_275 : f32 to vector<16xf32>
        %select_n3A_277 = arith.select %eq3A_273, %broadcast_in_dim3A_276, %add3A_182 : vector<16xi1>, vector<16xf32>
        %eq3A_278 = arith.constant 2 : i32
        %eq3A_279 = vector.broadcast %eq3A_278 : i32 to vector<16xi32>
        %eq3A_280 = arith.cmpi eq, %select_n3A_264, %eq3A_279 : vector<16xi32>
        %select_n3A_281 = arith.select %eq3A_280, %gather3A_81, %select_n3A_274 : vector<16xi1>, vector<16xi32>
        %jit3A_282 = arith.constant -1.000000e+30 : f32
        %broadcast_in_dim3A_283 = vector.broadcast %jit3A_282 : f32 to vector<16xf32>
        %select_n3A_284 = arith.select %eq3A_280, %broadcast_in_dim3A_283, %add3A_187 : vector<16xi1>, vector<16xf32>
        %eq3A_285 = arith.constant 3 : i32
        %eq3A_286 = vector.broadcast %eq3A_285 : i32 to vector<16xi32>
        %eq3A_287 = arith.cmpi eq, %select_n3A_264, %eq3A_286 : vector<16xi32>
        %select_n3A_288 = arith.select %eq3A_287, %gather3A_88, %select_n3A_281 : vector<16xi1>, vector<16xi32>
        %jit3A_289 = arith.constant -1.000000e+30 : f32
        %broadcast_in_dim3A_290 = vector.broadcast %jit3A_289 : f32 to vector<16xf32>
        %select_n3A_291 = arith.select %eq3A_287, %broadcast_in_dim3A_290, %add3A_192 : vector<16xi1>, vector<16xf32>
        %eq3A_292 = arith.constant 4 : i32
        %eq3A_293 = vector.broadcast %eq3A_292 : i32 to vector<16xi32>
        %eq3A_294 = arith.cmpi eq, %select_n3A_264, %eq3A_293 : vector<16xi32>
        %select_n3A_295 = arith.select %eq3A_294, %gather3A_95, %select_n3A_288 : vector<16xi1>, vector<16xi32>
        %jit3A_296 = arith.constant -1.000000e+30 : f32
        %broadcast_in_dim3A_297 = vector.broadcast %jit3A_296 : f32 to vector<16xf32>
        %select_n3A_298 = arith.select %eq3A_294, %broadcast_in_dim3A_297, %add3A_197 : vector<16xi1>, vector<16xf32>
        %eq3A_299 = arith.constant 5 : i32
        %eq3A_300 = vector.broadcast %eq3A_299 : i32 to vector<16xi32>
        %eq3A_301 = arith.cmpi eq, %select_n3A_264, %eq3A_300 : vector<16xi32>
        %select_n3A_302 = arith.select %eq3A_301, %gather3A_102, %select_n3A_295 : vector<16xi1>, vector<16xi32>
        %jit3A_303 = arith.constant -1.000000e+30 : f32
        %broadcast_in_dim3A_304 = vector.broadcast %jit3A_303 : f32 to vector<16xf32>
        %select_n3A_305 = arith.select %eq3A_301, %broadcast_in_dim3A_304, %add3A_202 : vector<16xi1>, vector<16xf32>
        %eq3A_306 = arith.constant 6 : i32
        %eq3A_307 = vector.broadcast %eq3A_306 : i32 to vector<16xi32>
        %eq3A_308 = arith.cmpi eq, %select_n3A_264, %eq3A_307 : vector<16xi32>
        %select_n3A_309 = arith.select %eq3A_308, %gather3A_109, %select_n3A_302 : vector<16xi1>, vector<16xi32>
        %jit3A_310 = arith.constant -1.000000e+30 : f32
        %broadcast_in_dim3A_311 = vector.broadcast %jit3A_310 : f32 to vector<16xf32>
        %select_n3A_312 = arith.select %eq3A_308, %broadcast_in_dim3A_311, %add3A_207 : vector<16xi1>, vector<16xf32>
        %eq3A_313 = arith.constant 7 : i32
        %eq3A_314 = vector.broadcast %eq3A_313 : i32 to vector<16xi32>
        %eq3A_315 = arith.cmpi eq, %select_n3A_264, %eq3A_314 : vector<16xi32>
        %select_n3A_316 = arith.select %eq3A_315, %gather3A_116, %select_n3A_309 : vector<16xi1>, vector<16xi32>
        %jit3A_317 = arith.constant -1.000000e+30 : f32
        %broadcast_in_dim3A_318 = vector.broadcast %jit3A_317 : f32 to vector<16xf32>
        %select_n3A_319 = arith.select %eq3A_315, %broadcast_in_dim3A_318, %add3A_212 : vector<16xi1>, vector<16xf32>
        %eq3A_320 = arith.constant 8 : i32
        %eq3A_321 = vector.broadcast %eq3A_320 : i32 to vector<16xi32>
        %eq3A_322 = arith.cmpi eq, %select_n3A_264, %eq3A_321 : vector<16xi32>
        %select_n3A_323 = arith.select %eq3A_322, %gather3A_123, %select_n3A_316 : vector<16xi1>, vector<16xi32>
        %jit3A_324 = arith.constant -1.000000e+30 : f32
        %broadcast_in_dim3A_325 = vector.broadcast %jit3A_324 : f32 to vector<16xf32>
        %select_n3A_326 = arith.select %eq3A_322, %broadcast_in_dim3A_325, %add3A_217 : vector<16xi1>, vector<16xf32>
        %eq3A_327 = arith.constant 9 : i32
        %eq3A_328 = vector.broadcast %eq3A_327 : i32 to vector<16xi32>
        %eq3A_329 = arith.cmpi eq, %select_n3A_264, %eq3A_328 : vector<16xi32>
        %select_n3A_330 = arith.select %eq3A_329, %get3A_127, %select_n3A_323 : vector<16xi1>, vector<16xi32>
        %jit3A_331 = arith.constant -1.000000e+30 : f32
        %broadcast_in_dim3A_332 = vector.broadcast %jit3A_331 : f32 to vector<16xf32>
        %select_n3A_333 = arith.select %eq3A_329, %broadcast_in_dim3A_332, %add3A_222 : vector<16xi1>, vector<16xf32>
        %mul3A_334 = arith.constant 3 : i32
        %mul3A_335 = arith.muli %add3A_58, %mul3A_334 : i32
        %add3A_336 = arith.constant 0 : i32
        %add3A_337 = arith.addi %mul3A_335, %add3A_336 : i32
        %mul3A_338 = arith.constant 16 : i32
        %mul3A_339 = arith.muli %add3A_337, %mul3A_338 : i32
        %swap3A = arith.index_cast %mul3A_339 : i32 to index
        %swap3A_340 = tpu.vector_load %arg19[%swap3A] {strides = array<i32>} : memref<384xf32, #tpu.memory_space<vmem>>, vector<16xf32>,
        tpu.vector_store %arg19[%swap3A], %select_n3A_261 {strides = array<i32>} : memref<384xf32, #tpu.memory_space<vmem>>, vector<16xf32>,
        %mul3A_341 = arith.constant 3 : i32
        %mul3A_342 = arith.muli %add3A_58, %mul3A_341 : i32
        %add3A_343 = arith.constant 0 : i32
        %add3A_344 = arith.addi %mul3A_342, %add3A_343 : i32
        %mul3A_345 = arith.constant 16 : i32
        %mul3A_346 = arith.muli %add3A_344, %mul3A_345 : i32
        %swap3A_347 = arith.index_cast %mul3A_346 : i32 to index
        %swap3A_348 = tpu.vector_load %arg20[%swap3A_347] {strides = array<i32>} : memref<384xi32, #tpu.memory_space<vmem>>, vector<16xi32>,
        tpu.vector_store %arg20[%swap3A_347], %select_n3A_330 {strides = array<i32>} : memref<384xi32, #tpu.memory_space<vmem>>, vector<16xi32>,
        %mul3A_349 = arith.constant 1024 : i32
        %mul3A_350 = vector.broadcast %mul3A_349 : i32 to vector<16xi32>
        %mul3A_351 = arith.muli %iota3A, %mul3A_350 : vector<16xi32>
        %add3A_352 = arith.addi %mul3A_351, %select_n3A_330 : vector<16xi32>
        tpu.vector_store_idx %arg21[%add3A_352], %broadcast_in_dim3A_1 {add = true} : memref<16384xf32, #tpu.memory_space<vmem>>[vector<16xi32>], vector<16xf32>,
        %gt3A_353 = arith.cmpf ogt, %select_n3A_277, %select_n3A_270 : vector<16xf32>
        %select_n3A_354 = arith.select %gt3A_353, %select_n3A_277, %select_n3A_270 : vector<16xi1>, vector<16xf32>
        %jit3A_355 = arith.constant 1 : i32
        %broadcast_in_dim3A_356 = vector.broadcast %jit3A_355 : i32 to vector<16xi32>
        %select_n3A_357 = arith.select %gt3A_353, %broadcast_in_dim3A_356, %broadcast_in_dim3A_5 : vector<16xi1>, vector<16xi32>
        %gt3A_358 = arith.cmpf ogt, %select_n3A_284, %select_n3A_354 : vector<16xf32>
        %select_n3A_359 = arith.select %gt3A_358, %select_n3A_284, %select_n3A_354 : vector<16xi1>, vector<16xf32>
        %jit3A_360 = arith.constant 2 : i32
        %broadcast_in_dim3A_361 = vector.broadcast %jit3A_360 : i32 to vector<16xi32>
        %select_n3A_362 = arith.select %gt3A_358, %broadcast_in_dim3A_361, %select_n3A_357 : vector<16xi1>, vector<16xi32>
        %gt3A_363 = arith.cmpf ogt, %select_n3A_291, %select_n3A_359 : vector<16xf32>
        %select_n3A_364 = arith.select %gt3A_363, %select_n3A_291, %select_n3A_359 : vector<16xi1>, vector<16xf32>
        %jit3A_365 = arith.constant 3 : i32
        %broadcast_in_dim3A_366 = vector.broadcast %jit3A_365 : i32 to vector<16xi32>
        %select_n3A_367 = arith.select %gt3A_363, %broadcast_in_dim3A_366, %select_n3A_362 : vector<16xi1>, vector<16xi32>
        %gt3A_368 = arith.cmpf ogt, %select_n3A_298, %select_n3A_364 : vector<16xf32>
        %select_n3A_369 = arith.select %gt3A_368, %select_n3A_298, %select_n3A_364 : vector<16xi1>, vector<16xf32>
        %jit3A_370 = arith.constant 4 : i32
        %broadcast_in_dim3A_371 = vector.broadcast %jit3A_370 : i32 to vector<16xi32>
        %select_n3A_372 = arith.select %gt3A_368, %broadcast_in_dim3A_371, %select_n3A_367 : vector<16xi1>, vector<16xi32>
        %gt3A_373 = arith.cmpf ogt, %select_n3A_305, %select_n3A_369 : vector<16xf32>
        %select_n3A_374 = arith.select %gt3A_373, %select_n3A_305, %select_n3A_369 : vector<16xi1>, vector<16xf32>
        %jit3A_375 = arith.constant 5 : i32
        %broadcast_in_dim3A_376 = vector.broadcast %jit3A_375 : i32 to vector<16xi32>
        %select_n3A_377 = arith.select %gt3A_373, %broadcast_in_dim3A_376, %select_n3A_372 : vector<16xi1>, vector<16xi32>
        %gt3A_378 = arith.cmpf ogt, %select_n3A_312, %select_n3A_374 : vector<16xf32>
        %select_n3A_379 = arith.select %gt3A_378, %select_n3A_312, %select_n3A_374 : vector<16xi1>, vector<16xf32>
        %jit3A_380 = arith.constant 6 : i32
        %broadcast_in_dim3A_381 = vector.broadcast %jit3A_380 : i32 to vector<16xi32>
        %select_n3A_382 = arith.select %gt3A_378, %broadcast_in_dim3A_381, %select_n3A_377 : vector<16xi1>, vector<16xi32>
        %gt3A_383 = arith.cmpf ogt, %select_n3A_319, %select_n3A_379 : vector<16xf32>
        %select_n3A_384 = arith.select %gt3A_383, %select_n3A_319, %select_n3A_379 : vector<16xi1>, vector<16xf32>
        %jit3A_385 = arith.constant 7 : i32
        %broadcast_in_dim3A_386 = vector.broadcast %jit3A_385 : i32 to vector<16xi32>
        %select_n3A_387 = arith.select %gt3A_383, %broadcast_in_dim3A_386, %select_n3A_382 : vector<16xi1>, vector<16xi32>
        %gt3A_388 = arith.cmpf ogt, %select_n3A_326, %select_n3A_384 : vector<16xf32>
        %select_n3A_389 = arith.select %gt3A_388, %select_n3A_326, %select_n3A_384 : vector<16xi1>, vector<16xf32>
        %jit3A_390 = arith.constant 8 : i32
        %broadcast_in_dim3A_391 = vector.broadcast %jit3A_390 : i32 to vector<16xi32>
        %select_n3A_392 = arith.select %gt3A_388, %broadcast_in_dim3A_391, %select_n3A_387 : vector<16xi1>, vector<16xi32>
        %gt3A_393 = arith.cmpf ogt, %select_n3A_333, %select_n3A_389 : vector<16xf32>
        %select_n3A_394 = arith.select %gt3A_393, %select_n3A_333, %select_n3A_389 : vector<16xi1>, vector<16xf32>
        %jit3A_395 = arith.constant 9 : i32
        %broadcast_in_dim3A_396 = vector.broadcast %jit3A_395 : i32 to vector<16xi32>
        %select_n3A_397 = arith.select %gt3A_393, %broadcast_in_dim3A_396, %select_n3A_392 : vector<16xi1>, vector<16xi32>
        %eq3A_398 = arith.constant 0 : i32
        %eq3A_399 = vector.broadcast %eq3A_398 : i32 to vector<16xi32>
        %eq3A_400 = arith.cmpi eq, %select_n3A_397, %eq3A_399 : vector<16xi32>
        %select_n3A_401 = arith.select %eq3A_400, %gather3A, %broadcast_in_dim3A_5 : vector<16xi1>, vector<16xi32>
        %jit3A_402 = arith.constant -1.000000e+30 : f32
        %broadcast_in_dim3A_403 = vector.broadcast %jit3A_402 : f32 to vector<16xf32>
        %select_n3A_404 = arith.select %eq3A_400, %broadcast_in_dim3A_403, %select_n3A_270 : vector<16xi1>, vector<16xf32>
        %eq3A_405 = arith.constant 1 : i32
        %eq3A_406 = vector.broadcast %eq3A_405 : i32 to vector<16xi32>
        %eq3A_407 = arith.cmpi eq, %select_n3A_397, %eq3A_406 : vector<16xi32>
        %select_n3A_408 = arith.select %eq3A_407, %gather3A_74, %select_n3A_401 : vector<16xi1>, vector<16xi32>
        %jit3A_409 = arith.constant -1.000000e+30 : f32
        %broadcast_in_dim3A_410 = vector.broadcast %jit3A_409 : f32 to vector<16xf32>
        %select_n3A_411 = arith.select %eq3A_407, %broadcast_in_dim3A_410, %select_n3A_277 : vector<16xi1>, vector<16xf32>
        %eq3A_412 = arith.constant 2 : i32
        %eq3A_413 = vector.broadcast %eq3A_412 : i32 to vector<16xi32>
        %eq3A_414 = arith.cmpi eq, %select_n3A_397, %eq3A_413 : vector<16xi32>
        %select_n3A_415 = arith.select %eq3A_414, %gather3A_81, %select_n3A_408 : vector<16xi1>, vector<16xi32>
        %jit3A_416 = arith.constant -1.000000e+30 : f32
        %broadcast_in_dim3A_417 = vector.broadcast %jit3A_416 : f32 to vector<16xf32>
        %select_n3A_418 = arith.select %eq3A_414, %broadcast_in_dim3A_417, %select_n3A_284 : vector<16xi1>, vector<16xf32>
        %eq3A_419 = arith.constant 3 : i32
        %eq3A_420 = vector.broadcast %eq3A_419 : i32 to vector<16xi32>
        %eq3A_421 = arith.cmpi eq, %select_n3A_397, %eq3A_420 : vector<16xi32>
        %select_n3A_422 = arith.select %eq3A_421, %gather3A_88, %select_n3A_415 : vector<16xi1>, vector<16xi32>
        %jit3A_423 = arith.constant -1.000000e+30 : f32
        %broadcast_in_dim3A_424 = vector.broadcast %jit3A_423 : f32 to vector<16xf32>
        %select_n3A_425 = arith.select %eq3A_421, %broadcast_in_dim3A_424, %select_n3A_291 : vector<16xi1>, vector<16xf32>
        %eq3A_426 = arith.constant 4 : i32
        %eq3A_427 = vector.broadcast %eq3A_426 : i32 to vector<16xi32>
        %eq3A_428 = arith.cmpi eq, %select_n3A_397, %eq3A_427 : vector<16xi32>
        %select_n3A_429 = arith.select %eq3A_428, %gather3A_95, %select_n3A_422 : vector<16xi1>, vector<16xi32>
        %jit3A_430 = arith.constant -1.000000e+30 : f32
        %broadcast_in_dim3A_431 = vector.broadcast %jit3A_430 : f32 to vector<16xf32>
        %select_n3A_432 = arith.select %eq3A_428, %broadcast_in_dim3A_431, %select_n3A_298 : vector<16xi1>, vector<16xf32>
        %eq3A_433 = arith.constant 5 : i32
        %eq3A_434 = vector.broadcast %eq3A_433 : i32 to vector<16xi32>
        %eq3A_435 = arith.cmpi eq, %select_n3A_397, %eq3A_434 : vector<16xi32>
        %select_n3A_436 = arith.select %eq3A_435, %gather3A_102, %select_n3A_429 : vector<16xi1>, vector<16xi32>
        %jit3A_437 = arith.constant -1.000000e+30 : f32
        %broadcast_in_dim3A_438 = vector.broadcast %jit3A_437 : f32 to vector<16xf32>
        %select_n3A_439 = arith.select %eq3A_435, %broadcast_in_dim3A_438, %select_n3A_305 : vector<16xi1>, vector<16xf32>
        %eq3A_440 = arith.constant 6 : i32
        %eq3A_441 = vector.broadcast %eq3A_440 : i32 to vector<16xi32>
        %eq3A_442 = arith.cmpi eq, %select_n3A_397, %eq3A_441 : vector<16xi32>
        %select_n3A_443 = arith.select %eq3A_442, %gather3A_109, %select_n3A_436 : vector<16xi1>, vector<16xi32>
        %jit3A_444 = arith.constant -1.000000e+30 : f32
        %broadcast_in_dim3A_445 = vector.broadcast %jit3A_444 : f32 to vector<16xf32>
        %select_n3A_446 = arith.select %eq3A_442, %broadcast_in_dim3A_445, %select_n3A_312 : vector<16xi1>, vector<16xf32>
        %eq3A_447 = arith.constant 7 : i32
        %eq3A_448 = vector.broadcast %eq3A_447 : i32 to vector<16xi32>
        %eq3A_449 = arith.cmpi eq, %select_n3A_397, %eq3A_448 : vector<16xi32>
        %select_n3A_450 = arith.select %eq3A_449, %gather3A_116, %select_n3A_443 : vector<16xi1>, vector<16xi32>
        %jit3A_451 = arith.constant -1.000000e+30 : f32
        %broadcast_in_dim3A_452 = vector.broadcast %jit3A_451 : f32 to vector<16xf32>
        %select_n3A_453 = arith.select %eq3A_449, %broadcast_in_dim3A_452, %select_n3A_319 : vector<16xi1>, vector<16xf32>
        %eq3A_454 = arith.constant 8 : i32
        %eq3A_455 = vector.broadcast %eq3A_454 : i32 to vector<16xi32>
        %eq3A_456 = arith.cmpi eq, %select_n3A_397, %eq3A_455 : vector<16xi32>
        %select_n3A_457 = arith.select %eq3A_456, %gather3A_123, %select_n3A_450 : vector<16xi1>, vector<16xi32>
        %jit3A_458 = arith.constant -1.000000e+30 : f32
        %broadcast_in_dim3A_459 = vector.broadcast %jit3A_458 : f32 to vector<16xf32>
        %select_n3A_460 = arith.select %eq3A_456, %broadcast_in_dim3A_459, %select_n3A_326 : vector<16xi1>, vector<16xf32>
        %eq3A_461 = arith.constant 9 : i32
        %eq3A_462 = vector.broadcast %eq3A_461 : i32 to vector<16xi32>
        %eq3A_463 = arith.cmpi eq, %select_n3A_397, %eq3A_462 : vector<16xi32>
        %select_n3A_464 = arith.select %eq3A_463, %get3A_127, %select_n3A_457 : vector<16xi1>, vector<16xi32>
        %jit3A_465 = arith.constant -1.000000e+30 : f32
        %broadcast_in_dim3A_466 = vector.broadcast %jit3A_465 : f32 to vector<16xf32>
        %select_n3A_467 = arith.select %eq3A_463, %broadcast_in_dim3A_466, %select_n3A_333 : vector<16xi1>, vector<16xf32>
        %mul3A_468 = arith.constant 3 : i32
        %mul3A_469 = arith.muli %add3A_58, %mul3A_468 : i32
        %add3A_470 = arith.constant 1 : i32
        %add3A_471 = arith.addi %mul3A_469, %add3A_470 : i32
        %mul3A_472 = arith.constant 16 : i32
        %mul3A_473 = arith.muli %add3A_471, %mul3A_472 : i32
        %swap3A_474 = arith.index_cast %mul3A_473 : i32 to index
        %swap3A_475 = tpu.vector_load %arg19[%swap3A_474] {strides = array<i32>} : memref<384xf32, #tpu.memory_space<vmem>>, vector<16xf32>,
        tpu.vector_store %arg19[%swap3A_474], %select_n3A_394 {strides = array<i32>} : memref<384xf32, #tpu.memory_space<vmem>>, vector<16xf32>,
        %mul3A_476 = arith.constant 3 : i32
        %mul3A_477 = arith.muli %add3A_58, %mul3A_476 : i32
        %add3A_478 = arith.constant 1 : i32
        %add3A_479 = arith.addi %mul3A_477, %add3A_478 : i32
        %mul3A_480 = arith.constant 16 : i32
        %mul3A_481 = arith.muli %add3A_479, %mul3A_480 : i32
        %swap3A_482 = arith.index_cast %mul3A_481 : i32 to index
        %swap3A_483 = tpu.vector_load %arg20[%swap3A_482] {strides = array<i32>} : memref<384xi32, #tpu.memory_space<vmem>>, vector<16xi32>,
        tpu.vector_store %arg20[%swap3A_482], %select_n3A_464 {strides = array<i32>} : memref<384xi32, #tpu.memory_space<vmem>>, vector<16xi32>,
        %mul3A_484 = arith.constant 1024 : i32
        %mul3A_485 = vector.broadcast %mul3A_484 : i32 to vector<16xi32>
        %mul3A_486 = arith.muli %iota3A, %mul3A_485 : vector<16xi32>
        %add3A_487 = arith.addi %mul3A_486, %select_n3A_464 : vector<16xi32>
        tpu.vector_store_idx %arg21[%add3A_487], %broadcast_in_dim3A_1 {add = true} : memref<16384xf32, #tpu.memory_space<vmem>>[vector<16xi32>], vector<16xf32>,
        %gt3A_488 = arith.cmpf ogt, %select_n3A_411, %select_n3A_404 : vector<16xf32>
        %select_n3A_489 = arith.select %gt3A_488, %select_n3A_411, %select_n3A_404 : vector<16xi1>, vector<16xf32>
        %jit3A_490 = arith.constant 1 : i32
        %broadcast_in_dim3A_491 = vector.broadcast %jit3A_490 : i32 to vector<16xi32>
        %select_n3A_492 = arith.select %gt3A_488, %broadcast_in_dim3A_491, %broadcast_in_dim3A_5 : vector<16xi1>, vector<16xi32>
        %gt3A_493 = arith.cmpf ogt, %select_n3A_418, %select_n3A_489 : vector<16xf32>
        %select_n3A_494 = arith.select %gt3A_493, %select_n3A_418, %select_n3A_489 : vector<16xi1>, vector<16xf32>
        %jit3A_495 = arith.constant 2 : i32
        %broadcast_in_dim3A_496 = vector.broadcast %jit3A_495 : i32 to vector<16xi32>
        %select_n3A_497 = arith.select %gt3A_493, %broadcast_in_dim3A_496, %select_n3A_492 : vector<16xi1>, vector<16xi32>
        %gt3A_498 = arith.cmpf ogt, %select_n3A_425, %select_n3A_494 : vector<16xf32>
        %select_n3A_499 = arith.select %gt3A_498, %select_n3A_425, %select_n3A_494 : vector<16xi1>, vector<16xf32>
        %jit3A_500 = arith.constant 3 : i32
        %broadcast_in_dim3A_501 = vector.broadcast %jit3A_500 : i32 to vector<16xi32>
        %select_n3A_502 = arith.select %gt3A_498, %broadcast_in_dim3A_501, %select_n3A_497 : vector<16xi1>, vector<16xi32>
        %gt3A_503 = arith.cmpf ogt, %select_n3A_432, %select_n3A_499 : vector<16xf32>
        %select_n3A_504 = arith.select %gt3A_503, %select_n3A_432, %select_n3A_499 : vector<16xi1>, vector<16xf32>
        %jit3A_505 = arith.constant 4 : i32
        %broadcast_in_dim3A_506 = vector.broadcast %jit3A_505 : i32 to vector<16xi32>
        %select_n3A_507 = arith.select %gt3A_503, %broadcast_in_dim3A_506, %select_n3A_502 : vector<16xi1>, vector<16xi32>
        %gt3A_508 = arith.cmpf ogt, %select_n3A_439, %select_n3A_504 : vector<16xf32>
        %select_n3A_509 = arith.select %gt3A_508, %select_n3A_439, %select_n3A_504 : vector<16xi1>, vector<16xf32>
        %jit3A_510 = arith.constant 5 : i32
        %broadcast_in_dim3A_511 = vector.broadcast %jit3A_510 : i32 to vector<16xi32>
        %select_n3A_512 = arith.select %gt3A_508, %broadcast_in_dim3A_511, %select_n3A_507 : vector<16xi1>, vector<16xi32>
        %gt3A_513 = arith.cmpf ogt, %select_n3A_446, %select_n3A_509 : vector<16xf32>
        %select_n3A_514 = arith.select %gt3A_513, %select_n3A_446, %select_n3A_509 : vector<16xi1>, vector<16xf32>
        %jit3A_515 = arith.constant 6 : i32
        %broadcast_in_dim3A_516 = vector.broadcast %jit3A_515 : i32 to vector<16xi32>
        %select_n3A_517 = arith.select %gt3A_513, %broadcast_in_dim3A_516, %select_n3A_512 : vector<16xi1>, vector<16xi32>
        %gt3A_518 = arith.cmpf ogt, %select_n3A_453, %select_n3A_514 : vector<16xf32>
        %select_n3A_519 = arith.select %gt3A_518, %select_n3A_453, %select_n3A_514 : vector<16xi1>, vector<16xf32>
        %jit3A_520 = arith.constant 7 : i32
        %broadcast_in_dim3A_521 = vector.broadcast %jit3A_520 : i32 to vector<16xi32>
        %select_n3A_522 = arith.select %gt3A_518, %broadcast_in_dim3A_521, %select_n3A_517 : vector<16xi1>, vector<16xi32>
        %gt3A_523 = arith.cmpf ogt, %select_n3A_460, %select_n3A_519 : vector<16xf32>
        %select_n3A_524 = arith.select %gt3A_523, %select_n3A_460, %select_n3A_519 : vector<16xi1>, vector<16xf32>
        %jit3A_525 = arith.constant 8 : i32
        %broadcast_in_dim3A_526 = vector.broadcast %jit3A_525 : i32 to vector<16xi32>
        %select_n3A_527 = arith.select %gt3A_523, %broadcast_in_dim3A_526, %select_n3A_522 : vector<16xi1>, vector<16xi32>
        %gt3A_528 = arith.cmpf ogt, %select_n3A_467, %select_n3A_524 : vector<16xf32>
        %select_n3A_529 = arith.select %gt3A_528, %select_n3A_467, %select_n3A_524 : vector<16xi1>, vector<16xf32>
        %jit3A_530 = arith.constant 9 : i32
        %broadcast_in_dim3A_531 = vector.broadcast %jit3A_530 : i32 to vector<16xi32>
        %select_n3A_532 = arith.select %gt3A_528, %broadcast_in_dim3A_531, %select_n3A_527 : vector<16xi1>, vector<16xi32>
        %eq3A_533 = arith.constant 0 : i32
        %eq3A_534 = vector.broadcast %eq3A_533 : i32 to vector<16xi32>
        %eq3A_535 = arith.cmpi eq, %select_n3A_532, %eq3A_534 : vector<16xi32>
        %select_n3A_536 = arith.select %eq3A_535, %gather3A, %broadcast_in_dim3A_5 : vector<16xi1>, vector<16xi32>
        %eq3A_537 = arith.constant 1 : i32
        %eq3A_538 = vector.broadcast %eq3A_537 : i32 to vector<16xi32>
        %eq3A_539 = arith.cmpi eq, %select_n3A_532, %eq3A_538 : vector<16xi32>
        %select_n3A_540 = arith.select %eq3A_539, %gather3A_74, %select_n3A_536 : vector<16xi1>, vector<16xi32>
        %eq3A_541 = arith.constant 2 : i32
        %eq3A_542 = vector.broadcast %eq3A_541 : i32 to vector<16xi32>
        %eq3A_543 = arith.cmpi eq, %select_n3A_532, %eq3A_542 : vector<16xi32>
        %select_n3A_544 = arith.select %eq3A_543, %gather3A_81, %select_n3A_540 : vector<16xi1>, vector<16xi32>
        %eq3A_545 = arith.constant 3 : i32
        %eq3A_546 = vector.broadcast %eq3A_545 : i32 to vector<16xi32>
        %eq3A_547 = arith.cmpi eq, %select_n3A_532, %eq3A_546 : vector<16xi32>
        %select_n3A_548 = arith.select %eq3A_547, %gather3A_88, %select_n3A_544 : vector<16xi1>, vector<16xi32>
        %eq3A_549 = arith.constant 4 : i32
        %eq3A_550 = vector.broadcast %eq3A_549 : i32 to vector<16xi32>
        %eq3A_551 = arith.cmpi eq, %select_n3A_532, %eq3A_550 : vector<16xi32>
        %select_n3A_552 = arith.select %eq3A_551, %gather3A_95, %select_n3A_548 : vector<16xi1>, vector<16xi32>
        %eq3A_553 = arith.constant 5 : i32
        %eq3A_554 = vector.broadcast %eq3A_553 : i32 to vector<16xi32>
        %eq3A_555 = arith.cmpi eq, %select_n3A_532, %eq3A_554 : vector<16xi32>
        %select_n3A_556 = arith.select %eq3A_555, %gather3A_102, %select_n3A_552 : vector<16xi1>, vector<16xi32>
        %eq3A_557 = arith.constant 6 : i32
        %eq3A_558 = vector.broadcast %eq3A_557 : i32 to vector<16xi32>
        %eq3A_559 = arith.cmpi eq, %select_n3A_532, %eq3A_558 : vector<16xi32>
        %select_n3A_560 = arith.select %eq3A_559, %gather3A_109, %select_n3A_556 : vector<16xi1>, vector<16xi32>
        %eq3A_561 = arith.constant 7 : i32
        %eq3A_562 = vector.broadcast %eq3A_561 : i32 to vector<16xi32>
        %eq3A_563 = arith.cmpi eq, %select_n3A_532, %eq3A_562 : vector<16xi32>
        %select_n3A_564 = arith.select %eq3A_563, %gather3A_116, %select_n3A_560 : vector<16xi1>, vector<16xi32>
        %eq3A_565 = arith.constant 8 : i32
        %eq3A_566 = vector.broadcast %eq3A_565 : i32 to vector<16xi32>
        %eq3A_567 = arith.cmpi eq, %select_n3A_532, %eq3A_566 : vector<16xi32>
        %select_n3A_568 = arith.select %eq3A_567, %gather3A_123, %select_n3A_564 : vector<16xi1>, vector<16xi32>
        %eq3A_569 = arith.constant 9 : i32
        %eq3A_570 = vector.broadcast %eq3A_569 : i32 to vector<16xi32>
        %eq3A_571 = arith.cmpi eq, %select_n3A_532, %eq3A_570 : vector<16xi32>
        %select_n3A_572 = arith.select %eq3A_571, %get3A_127, %select_n3A_568 : vector<16xi1>, vector<16xi32>
        %mul3A_573 = arith.constant 3 : i32
        %mul3A_574 = arith.muli %add3A_58, %mul3A_573 : i32
        %add3A_575 = arith.constant 2 : i32
        %add3A_576 = arith.addi %mul3A_574, %add3A_575 : i32
        %mul3A_577 = arith.constant 16 : i32
        %mul3A_578 = arith.muli %add3A_576, %mul3A_577 : i32
        %swap3A_579 = arith.index_cast %mul3A_578 : i32 to index
        %swap3A_580 = tpu.vector_load %arg19[%swap3A_579] {strides = array<i32>} : memref<384xf32, #tpu.memory_space<vmem>>, vector<16xf32>,
        tpu.vector_store %arg19[%swap3A_579], %select_n3A_529 {strides = array<i32>} : memref<384xf32, #tpu.memory_space<vmem>>, vector<16xf32>,
        %mul3A_581 = arith.constant 3 : i32
        %mul3A_582 = arith.muli %add3A_58, %mul3A_581 : i32
        %add3A_583 = arith.constant 2 : i32
        %add3A_584 = arith.addi %mul3A_582, %add3A_583 : i32
        %mul3A_585 = arith.constant 16 : i32
        %mul3A_586 = arith.muli %add3A_584, %mul3A_585 : i32
        %swap3A_587 = arith.index_cast %mul3A_586 : i32 to index
        %swap3A_588 = tpu.vector_load %arg20[%swap3A_587] {strides = array<i32>} : memref<384xi32, #tpu.memory_space<vmem>>, vector<16xi32>,
        tpu.vector_store %arg20[%swap3A_587], %select_n3A_572 {strides = array<i32>} : memref<384xi32, #tpu.memory_space<vmem>>, vector<16xi32>,
        %mul3A_589 = arith.constant 1024 : i32
        %mul3A_590 = vector.broadcast %mul3A_589 : i32 to vector<16xi32>
        %mul3A_591 = arith.muli %iota3A, %mul3A_590 : vector<16xi32>
        %add3A_592 = arith.addi %mul3A_591, %select_n3A_572 : vector<16xi32>
        tpu.vector_store_idx %arg21[%add3A_592], %broadcast_in_dim3A_1 {add = true} : memref<16384xf32, #tpu.memory_space<vmem>>[vector<16xi32>], vector<16xf32>,
      }
      %scan3A_45 = arith.constant 8 : i32
      %mul3A_46 = arith.constant 3 : i32
      %mul3A_47 = arith.muli %mul3A_34, %mul3A_46 : i32
      %mul3A_48 = arith.constant 16 : i32
      %mul3A_49 = arith.muli %mul3A_47, %mul3A_48 : i32
      "tpu.region"() ({
        %run_scoped3A = tpu.sem_alloc : memref<!tpu.dma_semaphore, #tpu.memory_space<semaphore_mem>>
        %dma_start3A = tpu.memref_slice %arg9[%mul3A_49] : memref<393216xf32, #tpu.memory_space<hbm>> -> memref<384xf32, #tpu.memory_space<hbm>>
        %dma_start3A_54 = tpu.memref_slice %arg9[%mul3A_49] : memref<393216xf32, #tpu.memory_space<hbm>> -> memref<384xf32, #tpu.memory_space<hbm>>
        tpu.enqueue_dma source(%arg19 : memref<384xf32, #tpu.memory_space<vmem>>) target(%dma_start3A_54 : memref<384xf32, #tpu.memory_space<hbm>>) target_semaphore(%run_scoped3A : memref<!tpu.dma_semaphore, #tpu.memory_space<semaphore_mem>>)
        %dma_wait3A = tpu.memref_slice %arg9[%mul3A_49] : memref<393216xf32, #tpu.memory_space<hbm>> -> memref<384xf32, #tpu.memory_space<hbm>>
        %dma_wait3A_55 = tpu.memref_slice %arg9[%mul3A_49] : memref<393216xf32, #tpu.memory_space<hbm>> -> memref<384xf32, #tpu.memory_space<hbm>>
        tpu.wait_dma2 semaphore(%run_scoped3A : memref<!tpu.dma_semaphore, #tpu.memory_space<semaphore_mem>>) src(%arg19 : memref<384xf32, #tpu.memory_space<vmem>>) dst(%dma_wait3A_55 : memref<384xf32, #tpu.memory_space<hbm>>)
        tpu.yield
      }) : () -> ()
      %mul3A_50 = arith.constant 3 : i32
      %mul3A_51 = arith.muli %mul3A_34, %mul3A_50 : i32
      %mul3A_52 = arith.constant 16 : i32
      %mul3A_53 = arith.muli %mul3A_51, %mul3A_52 : i32
      "tpu.region"() ({
        %run_scoped3A = tpu.sem_alloc : memref<!tpu.dma_semaphore, #tpu.memory_space<semaphore_mem>>
        %dma_start3A = tpu.memref_slice %arg10[%mul3A_53] : memref<393216xi32, #tpu.memory_space<hbm>> -> memref<384xi32, #tpu.memory_space<hbm>>
        %dma_start3A_54 = tpu.memref_slice %arg10[%mul3A_53] : memref<393216xi32, #tpu.memory_space<hbm>> -> memref<384xi32, #tpu.memory_space<hbm>>
        tpu.enqueue_dma source(%arg20 : memref<384xi32, #tpu.memory_space<vmem>>) target(%dma_start3A_54 : memref<384xi32, #tpu.memory_space<hbm>>) target_semaphore(%run_scoped3A : memref<!tpu.dma_semaphore, #tpu.memory_space<semaphore_mem>>)
        %dma_wait3A = tpu.memref_slice %arg10[%mul3A_53] : memref<393216xi32, #tpu.memory_space<hbm>> -> memref<384xi32, #tpu.memory_space<hbm>>
        %dma_wait3A_55 = tpu.memref_slice %arg10[%mul3A_53] : memref<393216xi32, #tpu.memory_space<hbm>> -> memref<384xi32, #tpu.memory_space<hbm>>
        tpu.wait_dma2 semaphore(%run_scoped3A : memref<!tpu.dma_semaphore, #tpu.memory_space<semaphore_mem>>) src(%arg20 : memref<384xi32, #tpu.memory_space<vmem>>) dst(%dma_wait3A_55 : memref<384xi32, #tpu.memory_space<hbm>>)
        tpu.yield
      }) : () -> ()
    }
    %scan3A_19 = arith.constant 32 : i32
    %scan3A_20 = arith.constant 0 : i32
    %scan3A_21 = arith.constant 64 : i32
    %scan3A_22 = arith.addi %scan3A_20, %scan3A_21 : i32
    %scan3A_23 = arith.constant 1 : i32
    scf.for %scan3A_25 = %scan3A_20 to %scan3A_22 step %scan3A_23  : i32 {
      %mul3A_26 = arith.constant 1 : i32
      %mul3A_27 = arith.muli %scan3A_25, %mul3A_26 : i32
      %add3A_28 = arith.constant 0 : i32
      %add3A_29 = arith.addi %add3A_28, %mul3A_27 : i32
      %mul3A_30 = arith.constant 16 : i32
      %mul3A_31 = arith.muli %add3A_29, %mul3A_30 : i32
      %add3A_32 = arith.constant 0 : i32
      %add3A_33 = arith.addi %add3A_32, %mul3A_31 : i32
      %get3A = arith.index_cast %add3A_33 : i32 to index
      %get3A_34 = tpu.vector_load %arg21[%get3A] {strides = array<i32>} : memref<16384xf32, #tpu.memory_space<vmem>>, vector<16xf32>,
      %add3A_35 = arith.addf %broadcast_in_dim3A_3, %get3A_34 : vector<16xf32>
      %mul3A_36 = arith.constant 16 : i32
      %mul3A_37 = arith.muli %add3A_29, %mul3A_36 : i32
      %add3A_38 = arith.constant 1024 : i32
      %add3A_39 = arith.addi %add3A_38, %mul3A_37 : i32
      %get3A_40 = arith.index_cast %add3A_39 : i32 to index
      %get3A_41 = tpu.vector_load %arg21[%get3A_40] {strides = array<i32>} : memref<16384xf32, #tpu.memory_space<vmem>>, vector<16xf32>,
      %add3A_42 = arith.addf %add3A_35, %get3A_41 : vector<16xf32>
      %mul3A_43 = arith.constant 16 : i32
      %mul3A_44 = arith.muli %add3A_29, %mul3A_43 : i32
      %add3A_45 = arith.constant 2048 : i32
      %add3A_46 = arith.addi %add3A_45, %mul3A_44 : i32
      %get3A_47 = arith.index_cast %add3A_46 : i32 to index
      %get3A_48 = tpu.vector_load %arg21[%get3A_47] {strides = array<i32>} : memref<16384xf32, #tpu.memory_space<vmem>>, vector<16xf32>,
      %add3A_49 = arith.addf %add3A_42, %get3A_48 : vector<16xf32>
      %mul3A_50 = arith.constant 16 : i32
      %mul3A_51 = arith.muli %add3A_29, %mul3A_50 : i32
      %add3A_52 = arith.constant 3072 : i32
      %add3A_53 = arith.addi %add3A_52, %mul3A_51 : i32
      %get3A_54 = arith.index_cast %add3A_53 : i32 to index
      %get3A_55 = tpu.vector_load %arg21[%get3A_54] {strides = array<i32>} : memref<16384xf32, #tpu.memory_space<vmem>>, vector<16xf32>,
      %add3A_56 = arith.addf %add3A_49, %get3A_55 : vector<16xf32>
      %mul3A_57 = arith.constant 16 : i32
      %mul3A_58 = arith.muli %add3A_29, %mul3A_57 : i32
      %add3A_59 = arith.constant 4096 : i32
      %add3A_60 = arith.addi %add3A_59, %mul3A_58 : i32
      %get3A_61 = arith.index_cast %add3A_60 : i32 to index
      %get3A_62 = tpu.vector_load %arg21[%get3A_61] {strides = array<i32>} : memref<16384xf32, #tpu.memory_space<vmem>>, vector<16xf32>,
      %add3A_63 = arith.addf %add3A_56, %get3A_62 : vector<16xf32>
      %mul3A_64 = arith.constant 16 : i32
      %mul3A_65 = arith.muli %add3A_29, %mul3A_64 : i32
      %add3A_66 = arith.constant 5120 : i32
      %add3A_67 = arith.addi %add3A_66, %mul3A_65 : i32
      %get3A_68 = arith.index_cast %add3A_67 : i32 to index
      %get3A_69 = tpu.vector_load %arg21[%get3A_68] {strides = array<i32>} : memref<16384xf32, #tpu.memory_space<vmem>>, vector<16xf32>,
      %add3A_70 = arith.addf %add3A_63, %get3A_69 : vector<16xf32>
      %mul3A_71 = arith.constant 16 : i32
      %mul3A_72 = arith.muli %add3A_29, %mul3A_71 : i32
      %add3A_73 = arith.constant 6144 : i32
      %add3A_74 = arith.addi %add3A_73, %mul3A_72 : i32
      %get3A_75 = arith.index_cast %add3A_74 : i32 to index
      %get3A_76 = tpu.vector_load %arg21[%get3A_75] {strides = array<i32>} : memref<16384xf32, #tpu.memory_space<vmem>>, vector<16xf32>,
      %add3A_77 = arith.addf %add3A_70, %get3A_76 : vector<16xf32>
      %mul3A_78 = arith.constant 16 : i32
      %mul3A_79 = arith.muli %add3A_29, %mul3A_78 : i32
      %add3A_80 = arith.constant 7168 : i32
      %add3A_81 = arith.addi %add3A_80, %mul3A_79 : i32
      %get3A_82 = arith.index_cast %add3A_81 : i32 to index
      %get3A_83 = tpu.vector_load %arg21[%get3A_82] {strides = array<i32>} : memref<16384xf32, #tpu.memory_space<vmem>>, vector<16xf32>,
      %add3A_84 = arith.addf %add3A_77, %get3A_83 : vector<16xf32>
      %mul3A_85 = arith.constant 16 : i32
      %mul3A_86 = arith.muli %add3A_29, %mul3A_85 : i32
      %add3A_87 = arith.constant 8192 : i32
      %add3A_88 = arith.addi %add3A_87, %mul3A_86 : i32
      %get3A_89 = arith.index_cast %add3A_88 : i32 to index
      %get3A_90 = tpu.vector_load %arg21[%get3A_89] {strides = array<i32>} : memref<16384xf32, #tpu.memory_space<vmem>>, vector<16xf32>,
      %add3A_91 = arith.addf %add3A_84, %get3A_90 : vector<16xf32>
      %mul3A_92 = arith.constant 16 : i32
      %mul3A_93 = arith.muli %add3A_29, %mul3A_92 : i32
      %add3A_94 = arith.constant 9216 : i32
      %add3A_95 = arith.addi %add3A_94, %mul3A_93 : i32
      %get3A_96 = arith.index_cast %add3A_95 : i32 to index
      %get3A_97 = tpu.vector_load %arg21[%get3A_96] {strides = array<i32>} : memref<16384xf32, #tpu.memory_space<vmem>>, vector<16xf32>,
      %add3A_98 = arith.addf %add3A_91, %get3A_97 : vector<16xf32>
      %mul3A_99 = arith.constant 16 : i32
      %mul3A_100 = arith.muli %add3A_29, %mul3A_99 : i32
      %add3A_101 = arith.constant 10240 : i32
      %add3A_102 = arith.addi %add3A_101, %mul3A_100 : i32
      %get3A_103 = arith.index_cast %add3A_102 : i32 to index
      %get3A_104 = tpu.vector_load %arg21[%get3A_103] {strides = array<i32>} : memref<16384xf32, #tpu.memory_space<vmem>>, vector<16xf32>,
      %add3A_105 = arith.addf %add3A_98, %get3A_104 : vector<16xf32>
      %mul3A_106 = arith.constant 16 : i32
      %mul3A_107 = arith.muli %add3A_29, %mul3A_106 : i32
      %add3A_108 = arith.constant 11264 : i32
      %add3A_109 = arith.addi %add3A_108, %mul3A_107 : i32
      %get3A_110 = arith.index_cast %add3A_109 : i32 to index
      %get3A_111 = tpu.vector_load %arg21[%get3A_110] {strides = array<i32>} : memref<16384xf32, #tpu.memory_space<vmem>>, vector<16xf32>,
      %add3A_112 = arith.addf %add3A_105, %get3A_111 : vector<16xf32>
      %mul3A_113 = arith.constant 16 : i32
      %mul3A_114 = arith.muli %add3A_29, %mul3A_113 : i32
      %add3A_115 = arith.constant 12288 : i32
      %add3A_116 = arith.addi %add3A_115, %mul3A_114 : i32
      %get3A_117 = arith.index_cast %add3A_116 : i32 to index
      %get3A_118 = tpu.vector_load %arg21[%get3A_117] {strides = array<i32>} : memref<16384xf32, #tpu.memory_space<vmem>>, vector<16xf32>,
      %add3A_119 = arith.addf %add3A_112, %get3A_118 : vector<16xf32>
      %mul3A_120 = arith.constant 16 : i32
      %mul3A_121 = arith.muli %add3A_29, %mul3A_120 : i32
      %add3A_122 = arith.constant 13312 : i32
      %add3A_123 = arith.addi %add3A_122, %mul3A_121 : i32
      %get3A_124 = arith.index_cast %add3A_123 : i32 to index
      %get3A_125 = tpu.vector_load %arg21[%get3A_124] {strides = array<i32>} : memref<16384xf32, #tpu.memory_space<vmem>>, vector<16xf32>,
      %add3A_126 = arith.addf %add3A_119, %get3A_125 : vector<16xf32>
      %mul3A_127 = arith.constant 16 : i32
      %mul3A_128 = arith.muli %add3A_29, %mul3A_127 : i32
      %add3A_129 = arith.constant 14336 : i32
      %add3A_130 = arith.addi %add3A_129, %mul3A_128 : i32
      %get3A_131 = arith.index_cast %add3A_130 : i32 to index
      %get3A_132 = tpu.vector_load %arg21[%get3A_131] {strides = array<i32>} : memref<16384xf32, #tpu.memory_space<vmem>>, vector<16xf32>,
      %add3A_133 = arith.addf %add3A_126, %get3A_132 : vector<16xf32>
      %mul3A_134 = arith.constant 16 : i32
      %mul3A_135 = arith.muli %add3A_29, %mul3A_134 : i32
      %add3A_136 = arith.constant 15360 : i32
      %add3A_137 = arith.addi %add3A_136, %mul3A_135 : i32
      %get3A_138 = arith.index_cast %add3A_137 : i32 to index
      %get3A_139 = tpu.vector_load %arg21[%get3A_138] {strides = array<i32>} : memref<16384xf32, #tpu.memory_space<vmem>>, vector<16xf32>,
      %add3A_140 = arith.addf %add3A_133, %get3A_139 : vector<16xf32>
      %mul3A_141 = arith.constant 16 : i32
      %mul3A_142 = arith.muli %add3A_29, %mul3A_141 : i32
      %swap3A = arith.index_cast %mul3A_142 : i32 to index
      %swap3A_143 = tpu.vector_load %arg22[%swap3A] {strides = array<i32>} : memref<1024xf32, #tpu.memory_space<vmem>>, vector<16xf32>,
      tpu.vector_store %arg22[%swap3A], %add3A_140 {strides = array<i32>} : memref<1024xf32, #tpu.memory_space<vmem>>, vector<16xf32>,
    }
    %scan3A_24 = arith.constant 64 : i32
    "tpu.region"() ({
      %run_scoped3A = tpu.sem_alloc : memref<!tpu.dma_semaphore, #tpu.memory_space<semaphore_mem>>
      %dma_start3A = arith.constant 0 : i32
      %dma_start3A_25 = tpu.memref_slice %arg11[%add3A, %dma_start3A] : memref<32x1024xf32, #tpu.memory_space<hbm>> -> memref<1x1024xf32, #tpu.memory_space<hbm>>
      %dma_start3A_26 = tpu.memref_squeeze %dma_start3A_25 : memref<1x1024xf32, #tpu.memory_space<hbm>> -> memref<1024xf32, #tpu.memory_space<hbm>>
      %dma_start3A_27 = arith.constant 0 : i32
      %dma_start3A_28 = tpu.memref_slice %arg11[%add3A, %dma_start3A_27] : memref<32x1024xf32, #tpu.memory_space<hbm>> -> memref<1x1024xf32, #tpu.memory_space<hbm>>
      %dma_start3A_29 = tpu.memref_squeeze %dma_start3A_28 : memref<1x1024xf32, #tpu.memory_space<hbm>> -> memref<1024xf32, #tpu.memory_space<hbm>>
      tpu.enqueue_dma source(%arg22 : memref<1024xf32, #tpu.memory_space<vmem>>) target(%dma_start3A_29 : memref<1024xf32, #tpu.memory_space<hbm>>) target_semaphore(%run_scoped3A : memref<!tpu.dma_semaphore, #tpu.memory_space<semaphore_mem>>)
      %dma_wait3A = arith.constant 0 : i32
      %dma_wait3A_30 = tpu.memref_slice %arg11[%add3A, %dma_wait3A] : memref<32x1024xf32, #tpu.memory_space<hbm>> -> memref<1x1024xf32, #tpu.memory_space<hbm>>
      %dma_wait3A_31 = tpu.memref_squeeze %dma_wait3A_30 : memref<1x1024xf32, #tpu.memory_space<hbm>> -> memref<1024xf32, #tpu.memory_space<hbm>>
      %dma_wait3A_32 = arith.constant 0 : i32
      %dma_wait3A_33 = tpu.memref_slice %arg11[%add3A, %dma_wait3A_32] : memref<32x1024xf32, #tpu.memory_space<hbm>> -> memref<1x1024xf32, #tpu.memory_space<hbm>>
      %dma_wait3A_34 = tpu.memref_squeeze %dma_wait3A_33 : memref<1x1024xf32, #tpu.memory_space<hbm>> -> memref<1024xf32, #tpu.memory_space<hbm>>
      tpu.wait_dma2 semaphore(%run_scoped3A : memref<!tpu.dma_semaphore, #tpu.memory_space<semaphore_mem>>) src(%arg22 : memref<1024xf32, #tpu.memory_space<vmem>>) dst(%dma_wait3A_34 : memref<1024xf32, #tpu.memory_space<hbm>>)
      tpu.yield
    }) : () -> ()
    return
  }
}

</mosaic_0001>

<sc_bundles>
// kernel: kernel.3.cloned.1.call-start
scs
__scs_entry_jumppad:
0x0: {  	(pc) =	sbr.rel $0x88, $3  }
0x1: {  	(tag) =	ssettag $0x0;
	lr =	simm.s32 $0x1  }
0x2: {  	[smem:$0x3F9A] =	sst lr;
	_ =	strace $0xD0000000  }
0x3: {  	_ = 	snop  }
0x4: {  	_ = 	snop  }
0x5: {  	_ = 	snop  }
0x6: {  	_ = 	snop  }
0x7: {  	_ = 	snop  }
__scs_overlays_trampoline_lowered:
0x8: {  	[smem:$0x3FA9] =	sst s0  }
0x9: {  	[smem:$0x3FAA] =	sst s1  }
0xa: {  	[smem:$0x3FAB] =	sst s2  }
0xb: {  	[smem:$0x3FAC] =	sst s3  }
0xc: {  	[smem:$0x3FAD] =	sst s4  }
0xd: {  	[smem:$0x3FAE] =	sst s5  }
0xe: {  	[smem:$0x3FAF] =	sst s6  }
0xf: {  	[smem:$0x3FB0] =	sst s7  }
0x10: {  	[smem:$0x3FB1] =	sst s8  }
0x11: {  	[smem:$0x3FB2] =	sst s9;
	s0 =	simm.s32 @!p0 $0x0  }
0x12: {  	s1 =	sld [smem:$0x3F98];
	s0 =	simm.s32 @p0 $0x1  }
0x13: {  	[smem:$0x3FB3] =	sst s0;
	s0 =	simm.s32 @!p1 $0x0  }
0x14: {  	s2 =	sld [smem:$0x3F97];
	s0 =	simm.s32 @p1 $0x1  }
0x15: {  	[smem:$0x3FB4] =	sst s0;
	s0 =	simm.s32 @!p2 $0x0  }
0x16: {  	s3 =	sld [smem:$0x3FDB];
	s0 =	simm.s32 @p2 $0x1  }
0x17: {  	s4 =	simm.s32 $0x1BF5;
	[smem:$0x3FB6] =	sst s0  }
0x18: {  	s0 =	sld [smem:$0x3F99];
	_ =	swait.ge [sflag:s4], $0x0  }
0x19: {  	s7 =	sld [smem:$0x3F9A]  }
0x1a: {  	s8 =	sadd.s32 $0xFFFFE003, lr  }
0x1b: {  	s9 =	sadd.s32 $0xFFFFFEF7, lr;
	s5 =	simm.s32 $0xFFFFFFFF;
	p2 =	slt.u32 s8, $0xFFFFF086  }
0x1c: {  	p1 =	slt.u32 s9, $0xF7A;
	s5 =	simm.s32 @!p2 $0x0  }
0x1d: {  	s5 =	simm.s32 @p1 $0x1;
	p0 =	seq.s32 s7, s2  }
0x1e: {  	s7 =	smul.u32 @!p0 $0xF7A, s2;
	p2 =	seq.s32 @!p0 s5, $0x0  }
0x1f: {  	s9 =	smul.u32 $0xF7A, s1;
	s8 =	simm.s32 @!p0 $0x1BF5;
	p2 =	por !p2, p0  }
0x20: {  	[sflag:s8] =	ssyncset.s32 @!p0 $0xFFFFF086;
	s6 =	sadd.s32 @!p0 s3, s7;
	s7 =	simm.s32 @!p0 $0x108  }
0x21: {  	s3 =	sadd.s32 s3, s9;
	s6 =	sadd.s32 @!p0 $0x88, s6;
	s7 =	simm.s32 @p2 $0x1082  }
0x22: {  	[simem:s7], [sflag:s8] =	dma.local @!p0 [hbm:s6], $0xF7A  }
0x23: {  	s9 =	sor.u32 $0xD0000000, s2;
	s6 =	simm.s32 $0x108;
	_ =	swait.ge @!p0 [sflag:s8], $0x0  }
0x24: {  	s3 =	sadd.s32 $0x88, s3;
	s6 =	simm.s32 @!p1 $0x1082;
	[sflag:s4] =	ssyncset.s32 $0xFFFFF086  }
0x25: {  	[simem:s6], [sflag:s4] =	dma.local [hbm:s3], $0xF7A  }
0x26: {  	[smem:$0x3F9A] =	sst s1;
	(tag) =	ssettag s2;
	_ =	strace s9  }
0x27: {  	s1 =	sld [smem:$0x3FAA]  }
0x28: {  	s2 =	sld [smem:$0x3FAB]  }
0x29: {  	s4 =	sld [smem:$0x3FAD]  }
0x2a: {  	p0 =	seq.s32 s5, $0x0;
	s5 =	sld [smem:$0x3FAE]  }
0x2b: {  	s6 =	sld [smem:$0x3FAF]  }
0x2c: {  	s7 =	sld [smem:$0x3FB0]  }
0x2d: {  	s3 =	simm.s32 $0x108;
	s8 =	sld [smem:$0x3FB1]  }
0x2e: {  	s3 =	simm.s32 @!p0 $0x1082;
	s9 =	sld [smem:$0x3FB2]  }
0x2f: {  	lr =	sadd.s32 s0, s3;
	s0 =	sld [smem:$0x3FA9]  }
0x30: {  	s3 =	sld [smem:$0x3FAC]  }
0x31: {  	[smem:$0x3FB5] =	sst s10  }
0x32: {  	s10 =	sld [smem:$0x3FB3];
	_ =	sdelay $0x3  }
0x33: {  	p0 =	seq.s32 s10, $0x1;
	s10 =	sld [smem:$0x3FB5];
	_ =	sdelay $0x3  }
0x34: {  	[smem:$0x3FB5] =	sst s10  }
0x35: {  	s10 =	sld [smem:$0x3FB4];
	_ =	sdelay $0x3  }
0x36: {  	p1 =	seq.s32 s10, $0x1;
	s10 =	sld [smem:$0x3FB5];
	_ =	sdelay $0x3  }
0x37: {  	[smem:$0x3FB5] =	sst s10  }
0x38: {  	s10 =	sld [smem:$0x3FB6]  }
0x39: {  	_ = 	snop;
	(pc) =	sbr.ind lr, $3  }
0x3a: {  	_ = 	snop  }
0x3b: {  	_ = 	snop  }
0x3c: {  	p2 =	seq.s32 s10, $0x1;
	s10 =	sld [smem:$0x3FB5]  }
0x3d: {  	_ =	shalt  }
0x3e: {  	_ =	shalt  }
0x3f: {  	_ =	shalt  }
0x40: {  	_ =	shalt  }
0x41: {  	_ =	shalt  }
0x42: {  	_ =	shalt  }
0x43: {  	_ =	shalt  }
0x44: {  	_ =	shalt  }
0x45: {  	_ =	shalt  }
0x46: {  	_ =	shalt  }
0x47: {  	_ =	shalt  }
0x48: {  	_ =	shalt  }
0x49: {  	_ =	shalt  }
0x4a: {  	_ =	shalt  }
0x4b: {  	_ =	shalt  }
0x4c: {  	_ =	shalt  }
0x4d: {  	_ =	shalt  }
0x4e: {  	_ =	shalt  }
0x4f: {  	_ =	shalt  }
0x50: {  	_ =	shalt  }
0x51: {  	_ =	shalt  }
0x52: {  	_ =	shalt  }
0x53: {  	_ =	shalt  }
0x54: {  	_ =	shalt  }
0x55: {  	_ =	shalt  }
0x56: {  	_ =	shalt  }
0x57: {  	_ =	shalt  }
0x58: {  	_ =	shalt  }
0x59: {  	_ =	shalt  }
0x5a: {  	_ =	shalt  }
0x5b: {  	_ =	shalt  }
0x5c: {  	_ =	shalt  }
0x5d: {  	_ =	shalt  }
0x5e: {  	_ =	shalt  }
0x5f: {  	_ =	shalt  }
0x60: {  	_ =	shalt  }
0x61: {  	_ =	shalt  }
0x62: {  	_ =	shalt  }
0x63: {  	_ =	shalt  }
0x64: {  	_ =	shalt  }
0x65: {  	_ =	shalt  }
0x66: {  	_ =	shalt  }
0x67: {  	_ =	shalt  }
0x68: {  	_ =	shalt  }
0x69: {  	_ =	shalt  }
0x6a: {  	_ =	shalt  }
0x6b: {  	_ =	shalt  }
0x6c: {  	_ =	shalt  }
0x6d: {  	_ =	shalt  }
0x6e: {  	_ =	shalt  }
0x6f: {  	_ =	shalt  }
0x70: {  	_ =	shalt  }
0x71: {  	_ =	shalt  }
0x72: {  	_ =	shalt  }
0x73: {  	_ =	shalt  }
0x74: {  	_ =	shalt  }
0x75: {  	_ =	shalt  }
0x76: {  	_ =	shalt  }
0x77: {  	_ =	shalt  }
0x78: {  	_ =	shalt  }
0x79: {  	_ =	shalt  }
0x7a: {  	_ =	shalt  }
0x7b: {  	_ =	shalt  }
0x7c: {  	_ =	shalt  }
0x7d: {  	_ =	shalt  }
0x7e: {  	_ =	shalt  }
0x7f: {  	_ =	shalt  }
0x80: {  	_ =	shalt  }
0x81: {  	_ =	shalt  }
0x82: {  	_ =	shalt  }
0x83: {  	_ =	shalt  }
0x84: {  	_ =	shalt  }
0x85: {  	_ =	shalt  }
0x86: {  	_ =	shalt  }
0x87: {  	_ =	shalt  }
.Lfunc_end0:
.L_simem_size_0:
called_computation.1_lowered:
.L_overlay_start_0:
0x88: {  	s2 =	sld [smem:$0x3FD9]  }
0x89: {  	s3 =	sld [smem:$0x3FFE];
	_ =	sdelay $0x1  }
0x8a: {  	s1 =	srdreg.scid  }
0x8b: {  	s0 =	sand.u32 $0x1, s1  }
0x8c: {  	s14 =	sshll.u32 s0, $0xA;
	s2 =	sadd.s32 s3, s2  }
0x8d: {  	s2 =	sadd.s32 s2, s14  }
0x8e: {  	[smem:$0x3FC1] =	sst s2  }
0x8f: {  	_ = 	snop  }
0x90: {  	s2 =	sld [smem:$0x3FD0]  }
0x91: {  	s15 =	sld [smem:$0x3FC7]  }
0x92: {  	s4 =	sld [smem:$0x3FC6]  }
0x93: {  	s6 =	simm.s32 $0xA;
	s7 =	simm.s32 $0x10;
	s5 =	sld [smem:$0x3FC3]  }
0x94: {  	[smem:s7], [sflag:s6] =	dma.local [hbm:s2], $0x1  }
0x95: {  	_ =	swait.eq [sflag:s6], $0x1  }
0x96: {  	[sflag:s6] =	ssyncset.done $0x0  }
0x97: {  	s16 =	sld [smem:$0x10];
	[sflag:s6] =	ssyncadd.s32 $0xFFFFFFFF  }
0x98: {  	s17 =	sld [smem:$0x11];
	(tm) =	ssettm $0x1  }
0x99: {  	s18 =	sld [smem:$0x3FFB];
	_ =	sdelay $0x3  }
0x9a: {  	_ =	strace s18  }
0x9b: {  	s7 =	sld [smem:$0x3FFC];
	_ =	sdelay $0x3  }
0x9c: {  	_ =	strace s7  }
0x9d: {  	s7 =	sld [smem:$0x3FFD];
	_ =	sdelay $0x3  }
0x9e: {  	_ =	strace s7  }
0x9f: {  	_ =	strace $0x8FFFFFFF  }
0xa0: {  	s19 =	sld [smem:$0x3FDB];
	_ =	sdelay $0x1  }
0xa1: {  	s8 =	simm.s32 $_scs_section_size  }
0xa2: {  	s9 =	simm.s32 $_size__tile_overlayer_lowered;
	s10 =	simm.s32 $_tile_overlayer_lowered  }
0xa3: {  	s22 =	simm.s32 $0x1BFF;
	s21 =	sshll.u32 s10, $0x1;
	s7 =	sadd.s32 s8, s19  }
0xa4: {  	s11 =	simm.s32 $0x0;
	s20 =	sshll.u32 s9, $0x1;
	s9 =	sadd.s32 s21, s7  }
0xa5: {  	[timem:s11], [sflag:s22] =	dma.local [hbm:s9], s20  }
0xa6: {  	_ =	swait.ge [sflag:s22], s20  }
0xa7: {  	s8 =	ssub.s32 $0x0, s20;
	[sflag:s22] =	ssyncset.done $0x0  }
0xa8: {  	[sflag:s22] =	ssyncadd.s32 s8;
	_ =	sdelay $0x1  }
0xa9: {  	s23 =	simm.s32 $0x1B8B  }
0xaa: {  	_ =	swait.ge [sflag:s23], $0x1  }
0xab: {  	[sflag:s23] =	ssyncset.done $0x0  }
0xac: {  	s25 =	simm.s32 $0x1B8E;
	s24 =	sld [smem:$0x3FFE];
	[sflag:s23] =	ssyncadd.s32 $0xFFFFFFFF  }
0xad: {  	s26 =	simm.s32 $execute0_lowered;
	[smem:$0x3FD2] =	sst s25  }
0xae: {  	s9 =	sshll.u32 s26, $0x1;
	_ =	strace $0x80000049;
	[dreg:$0x1] =	wrdreg $0xFFFFFFFF  }
0xaf: {  	s28 =	simm.s32 $_size_execute0_lowered;
	s7 =	sadd.s32 s7, s9;
	[dreg:$0x0] =	wrdreg $0x0  }
0xb0: {  	s9 =	sshll.u32 s28, $0x1;
	[dreg:$0x2] =	wrdreg s7  }
0xb1: {  	[dreg:$0x3] =	wrdreg s9  }
0xb2: {  	[dreg:$0x4] =	wrdreg $0xC0  }
0xb3: {  	_ =	task [dreg:s11], $0x5FFFF  }
0xb4: {  	[dreg:$0x1] =	wrdreg $0xFFFFFFFF  }
0xb5: {  	[dreg:$0x0] =	wrdreg $0x60  }
0xb6: {  	[dreg:$0x2] =	wrdreg s24  }
0xb7: {  	[dreg:$0x3] =	wrdreg s16  }
0xb8: {  	[dreg:$0x4] =	wrdreg s15  }
0xb9: {  	[dreg:$0x5] =	wrdreg s4  }
0xba: {  	[dreg:$0x6] =	wrdreg s5  }
0xbb: {  	[dreg:$0x7] =	wrdreg s17  }
0xbc: {  	[dreg:$0x8] =	wrdreg $0x9  }
0xbd: {  	_ =	task.clear_ibuf [dreg:s11], $0x9FFFF;
	_ =	strace $0x90000049  }
0xbe: {  	s29 =	simm.s32 $0x9;
	_ =	strace $0x8000004B  }
0xbf: {  	_ =	swait.ge [sflag:s29], $0x1  }
0xc0: {  	[sflag:s29] =	ssyncadd.s32 $0xFFFFFFFF  }
0xc1: {  	_ =	strace $0x9000004B  }
0xc2: {  	_ =	sfence  }
0xc3: {  	s30 =	sld [smem:$0x0];
	_ =	sdelay $0x2  }
0xc4: {  	s31 =	sshll.u32 s1, $0xD;
	s1 =	sshrl.u32 s1, $0x2  }
0xc5: {  	s3 =	sand.u32 $0x4000, s31;
	s1 =	sadd.s32 s1, s30  }
0xc6: {  	s0 =	sor.u32 s3, s0;
	s1 =	sshll.u32 s1, $0x11  }
0xc7: {  	s0 =	sor.u32 s1, s0  }
0xc8: {  	s0 =	sadd.s32 $0x8F2B, s0  }
0xc9: {  	[sflag:s0] =	ssyncadd.remote.s32 $0x1  }
0xca: {  	_ =	sfence.sel $0xFFFF  }
0xcb: {  	[dreg:$0x0] =	wrdreg $0xFFFFFFFF;
	(pc) =	sbr.abs _section_cstart, $3  }
0xcc: {  	[dreg:$0x1] =	wrdreg $0xFFFFFFFF  }
0xcd: {  	_ =	task.clear_ibuf [dreg:s11], $0x2FFFF;
	_ =	strace $0x9FFFFFFF  }
0xce: {  	(tm) =	ssettm $0x7FFFFFFF  }
0xcf: {  	_ =	shalt  }
tec
execute0_lowered:
.L_overlay_start_1:
0x0: {  	(tag) =	ssettag $0x1  }
0x1: {  	s0 =	rddreg [dreg:$0x0]  }
0x2: {  	s3 =	rddreg [dreg:$0x3]  }
0x3: {  	s4 =	rddreg [dreg:$0x4]  }
0x4: {  	s5 =	rddreg [dreg:$0x5]  }
0x5: {  	s7 =	simm.s32 $0x0;
	s6 =	stileid.u32;
	s1 =	srdreg.scid  }
0x6: {  	s15 =	simm.s32 $0x1;
	s16 =	simm.s32 $0x10000;
	s17 =	simm.s32 $0x10C00  }
0x7: {  	s18 =	simm.s32 $0x11400;
	s19 =	simm.s32 $0x11800;
	s20 =	simm.s32 $0x13800  }
0x8: {  	s21 =	simm.s32 $0x13880;
	s22 =	simm.s32 $0x13C00;
	s23 =	simm.s32 $0x13900  }
0x9: {  	s24 =	simm.s32 $0x13A80;
	s29 =	simm.s32 $0x0;
	[smem:$0x7FF] =	sst s7  }
0xa: {  	s8 =	sadd.s32 $0x1200, s0;
	s1 =	sand.u32 $0x1, s1;
	s2 =	sshll.u32 s6, $0x1  }
0xb: {  	s9 =	sadd.s32 $0xA01200, s0;
	s6 =	sshll.u32 s6, $0x8;
	s10 =	sadd.s32 $0xA01400, s0  }
0xc: {  	_ =	strace $0x8000004A;
	[dreg:$0x7] =	wrdreg s9;
	s2 =	sor.u32 s1, s2  }
0xd: {  	v1 =	vlaneseq.u32;
	s6 =	sand.u32 $0xC00, s6;
	s1 =	ssub.s32 $0x2, s1;
	s11 =	sshll.u32 s2, $0x4  }
0xe: {  	v0 =	vmul.u32 $0x40, v1;
	v1 =	vmul.u32 $0x400, v1;
	s6 =	sadd.s32 s6, s0;
	s31 =	sshrl.u32 s1, $0x1;
	s12 =	sand.u32 $0x70, s11  }
0xf: {  	s11 =	sadd.s32 $0x101200, s0;
	s0 =	ssub.s32 s1, s31;
	s6 =	sadd.s32 s12, s6  }
0x10: {  	v3 =	vimm.f32 $0.0e+00;
	[tilespmem:$0x1FFF0] =	vst v1;
	s12 =	sshll.u32 s2, $0x5;
	s14 =	smax.u32 s0, $0x1;
	s13 =	sadd.s32 $0x10D200, s6  }
.LBB2_1:
0x11: {  	s0 =	rddreg [dreg:$0x1]  }
0x12: {  	[tilespmem:s7], [sflag:$0x1] =	stream.linear.gather [hbm4b:s0+s7], $0x10000, $0x38;
	[tilespmem:$0x18000] =	vst v63  }
0x13: {  	_ =	swait.ge [sflag:s15], $0x10000  }
0x14: {  	[sflag:s15] =	ssyncset.done $0x0  }
0x15: {  	s30 =	rddreg [dreg:$0x7];
	[sflag:s15] =	ssyncadd.s32 $0xFFFF0000  }
0x16: {  	[tilespmem:s16], [sflag:$0x1] =	stream.linear.gather [hbm4b:s30+s7], $0xC00, $0x38;
	[tilespmem:$0x18000] =	vst v63  }
0x17: {  	_ =	swait.ge [sflag:s15], $0xC00  }
0x18: {  	[sflag:s15] =	ssyncset.done $0x0  }
0x19: {  	[sflag:s15] =	ssyncadd.s32 $0xFFFFF400  }
0x1a: {  	[tilespmem:s17], [sflag:$0x1] =	stream.linear.gather [hbm4b:s10+s7], $0x800, $0x38;
	[tilespmem:$0x18000] =	vst v63  }
0x1b: {  	_ =	swait.ge [sflag:s15], $0x800  }
0x1c: {  	[sflag:s15] =	ssyncset.done $0x0  }
0x1d: {  	[sflag:s15] =	ssyncadd.s32 $0xFFFFF800  }
0x1e: {  	s31 =	rddreg [dreg:$0x2]  }
0x1f: {  	[tilespmem:s18], [sflag:$0x1] =	stream.linear.gather [hbm4b:s31+s7], $0x400, $0x38;
	[tilespmem:$0x18000] =	vst v63  }
0x20: {  	_ =	swait.ge [sflag:s15], $0x400  }
0x21: {  	[sflag:s15] =	ssyncset.done $0x0  }
0x22: {  	s0 =	simm.s32 $0x0;
	[sflag:s15] =	ssyncadd.s32 $0xFFFFFC00  }
.LBB2_2:
0x23: {  	s1 =	sshll.u32 s0, $0xA;
	s2 =	simm.s32 $0x0  }
0x24: {  	s2 =	sor.u32 s1, s2  }
0x25: {  	v2 =	vor.u32 s2, v0;
	_ =	sdelay $0x2  }
0x26: {  	s31 =	simm.s32 $0x1  }
0x27: {  	s6 =	sor.u32 s1, s31  }
0x28: {  	v5 =	vor.u32 s6, v0;
	v2 =	vld.idx.msk [tilespmem:v2+s7+$0x0], $0xffff  }
0x29: {  	v1 =	vimm.f32 $0.0e+00;
	s2 =	simm.s32 $0x2  }
.LBB2_3:
0x2a: {  	p0 =	sne.s32 s2, $0x3F  }
.Ltmp0:
0x2b: {  	_ = 	snop;
	(pc) =	sbr.rel @p0 .LBB2_3-.Ltmp0, $4  }
0x2c: {  	_ = 	snop  }
0x2d: {  	s6 =	sor.u32 s1, s2;
	s2 =	sadd.s32 $0x1, s2;
	v6 =	vmul.f32 v2, v2;
	v2 =	vld.idx.msk [tilespmem:v5+s7+$0x0], $0xffff  }
0x2e: {  	v5 =	vor.u32 s6, v0  }
0x2f: {  	v1 =	vadd.f32 v6, v1  }
0x30: {  	_ =	sdelay $0x3  }
0x31: {  	v5 =	vld.idx.msk [tilespmem:v5+s7+$0x0], $0xffff;
	_ =	sdelay $0x2  }
0x32: {  	v2 =	vmul.f32 v2, v2  }
0x33: {  	s1 =	sshll.u32 s0, $0x4  }
0x34: {  	s1 =	sand.u32 $0x3FFFFFF0, s1;
	v1 =	vadd.f32 v2, v1;
	v2 =	vmul.f32 v5, v5  }
0x35: {  	v5 =	vld [tilespmem:s1+$0x11400]  }
0x36: {  	s0 =	sadd.s32 $0x1, s0;
	v1 =	vadd.f32 v2, v1  }
0x37: {  	p0 =	sne.s32 s0, $0x40  }
.Ltmp1:
0x38: {  	v1 =	vmul.f32 $-5.000000000e-01, v1;
	(pc) =	sbr.rel @p0 .LBB2_2-.Ltmp1, $3  }
0x39: {  	_ = 	snop  }
0x3a: {  	v1 =	vadd.f32 v1, v5;
	_ =	sdelay $0x1  }
0x3b: {  	s30 =	simm.s32 $0x0;
	[tilespmem:s1+$0x11400] =	vst v1  }
0x3c: {  	s0 =	simm.s32 $0x40;
	s1 =	simm.s32 $0x0  }
.LBB2_6:
0x3d: {  	p0 =	sne.s32 s0, $0xFFC0;
	[tilespmem:s1+$0x13C00] =	vst v3;
	s1 =	smov.u32 s0;
	s0 =	sadd.s32 $0x40, s0  }
.Ltmp2:
0x3e: {  	(pc) =	sbr.rel @p0 .LBB2_6-.Ltmp2, $2  }
0x3f: {  	_ =	sdelay $0x2  }
0x40: {  	s1 =	sshra.s32 s1, $0x2  }
0x41: {  	[tilespmem:s1+$0x13C00] =	vst v3  }
.LBB2_8:
0x42: {  	s31 =	sadd.s32 s12, s30  }
0x43: {  	s0 =	sshll.u32 s31, $0xA  }
0x44: {  	s1 =	sadd.s32 s8, s0;
	s0 =	simm.s32 $0x0  }
0x45: {  	[tilespmem:s19], [sflag:$0x1] =	stream.linear.gather [hbm4b:s1+s0], $0x2000, $0x38;
	[tilespmem:$0x18000] =	vst v63  }
0x46: {  	_ =	swait.ge [sflag:s15], $0x2000  }
0x47: {  	s28 =	sshll.u32 s31, $0x4;
	[sflag:s15] =	ssyncset.done $0x0  }
0x48: {  	s2 =	sadd.s32 s3, s28;
	[sflag:s15] =	ssyncadd.s32 $0xFFFFE000  }
0x49: {  	[tilespmem:s20], [sflag:$0x1] =	stream.linear.gather [hbm4b:s2+s0], $0x80, $0x38;
	[tilespmem:$0x18000] =	vst v63  }
0x4a: {  	_ =	swait.ge [sflag:s15], $0x80  }
0x4b: {  	[sflag:s15] =	ssyncset.done $0x0  }
0x4c: {  	s1 =	sadd.s32 s4, s28;
	[sflag:s15] =	ssyncadd.s32 $0xFFFFFF80  }
0x4d: {  	[tilespmem:s21], [sflag:$0x1] =	stream.linear.gather [hbm4b:s1+s0], $0x80, $0x38;
	[tilespmem:$0x18000] =	vst v63  }
0x4e: {  	_ =	swait.ge [sflag:s15], $0x80  }
0x4f: {  	[sflag:s15] =	ssyncset.done $0x0  }
0x50: {  	s6 =	simm.s32 $0x0;
	[sflag:s15] =	ssyncadd.s32 $0xFFFFFF80  }
.LBB2_9:
0x51: {  	s1 =	sshll.u32 s6, $0x4  }
0x52: {  	v1 =	vld [tilespmem:s1+$0x13800];
	_ =	sdelay $0x4  }
0x53: {  	v1 =	vmul.u32 $0x3, v1;
	_ =	sdelay $0x1  }
0x54: {  	v2 =	vadd.s32 $0x1, v1  }
0x55: {  	v5 =	vadd.s32 $0x2, v1;
	_ =	sdelay $0x2  }
0x56: {  	v14 =	vld.idx.msk [tilespmem:v1+s16+$0x0], $0xffff  }
0x57: {  	v11 =	vld.idx.msk [tilespmem:v2+s16+$0x0], $0xffff  }
0x58: {  	v10 =	vld.idx.msk [tilespmem:v5+s16+$0x0], $0xffff;
	_ =	sdelay $0x3  }
0x59: {  	v1 =	vshll.u32 v14, $0x1  }
0x5a: {  	v2 =	vor.u32 $0x1, v1  }
0x5b: {  	v5 =	vshll.u32 v11, $0x1;
	v24 =	vld.idx.msk [tilespmem:v14+s18+$0x0], $0xffff  }
0x5c: {  	v7 =	vshll.u32 v10, $0x1;
	v23 =	vld.idx.msk [tilespmem:v11+s18+$0x0], $0xffff  }
0x5d: {  	v22 =	vld.idx.msk [tilespmem:v10+s18+$0x0], $0xffff  }
0x5e: {  	v30 =	vshll.u32 v10, $0x6;
	v13 =	vld.idx.msk [tilespmem:v1+s17+$0x0], $0xffff  }
0x5f: {  	v6 =	vor.u32 $0x1, v5;
	v12 =	vld.idx.msk [tilespmem:v2+s17+$0x0], $0xffff  }
0x60: {  	v1 =	vor.u32 $0x1, v7;
	v9 =	vld.idx.msk [tilespmem:v5+s17+$0x0], $0xffff  }
0x61: {  	s26 =	sshll.u32 s6, $0xA;
	v7 =	vld.idx.msk [tilespmem:v7+s17+$0x0], $0xffff  }
0x62: {  	v5 =	vld [tilespmem:s1+$0x13880];
	v2 =	vshll.u32 v11, $0x6;
	s1 =	sand.u32 $0x3FFFFC00, s26  }
0x63: {  	s2 =	sand.u32 $0x380, s0;
	v48 =	vld.idx.msk [tilespmem:v30+s7+$0x0], $0xffff;
	s1 =	sadd.s32 $0x11800, s1  }
0x64: {  	s25 =	sand.u32 $0x70, s0;
	v8 =	vld.idx.msk [tilespmem:v6+s17+$0x0], $0xffff;
	s2 =	sadd.s32 s2, s1  }
0x65: {  	s2 =	sadd.s32 s25, s2;
	v6 =	vld.idx.msk [tilespmem:v1+s17+$0x0], $0xffff  }
0x66: {  	v1 =	vshll.u32 v14, $0x6;
	v26 =	vld [tilespmem:s2+$0x0]  }
0x67: {  	v28 =	vor.u32 $0x1, v2;
	v25 =	vshll.u32 v5, $0x6;
	v2 =	vld.idx.msk [tilespmem:v2+s7+$0x0], $0xffff  }
0x68: {  	v34 =	vshll.u32 v13, $0x6;
	v21 =	vld.idx.msk [tilespmem:v13+s18+$0x0], $0xffff  }
0x69: {  	v35 =	vshll.u32 v12, $0x6;
	v20 =	vld.idx.msk [tilespmem:v12+s18+$0x0], $0xffff  }
0x6a: {  	v41 =	vshll.u32 v9, $0x6;
	v3 =	vld.idx.msk [tilespmem:v7+s18+$0x0], $0xffff  }
0x6b: {  	v27 =	vor.u32 $0x1, v1;
	v1 =	vld.idx.msk [tilespmem:v1+s7+$0x0], $0xffff  }
0x6c: {  	v45 =	vshll.u32 v7, $0x6;
	v43 =	vld.idx.msk [tilespmem:v25+s7+$0x0], $0xffff  }
0x6d: {  	v51 =	vadd.s32 s0, v28;
	v40 =	vor.u32 $0x1, v25;
	v25 =	vld.idx.msk [tilespmem:v34+s7+$0x0], $0xffff  }
0x6e: {  	v44 =	vshll.u32 v8, $0x6;
	v50 =	vld.idx.msk [tilespmem:v35+s7+$0x0], $0xffff  }
0x6f: {  	v36 =	vimm.f32 $0.0e+00;
	v29 =	vor.u32 $0x1, v30;
	v49 =	vadd.s32 s0, v27;
	v54 =	vld.idx.msk [tilespmem:v41+s7+$0x0], $0xffff  }
0x70: {  	v52 =	vadd.s32 s0, v29;
	v31 =	vor.u32 $0x1, v34;
	v32 =	vor.u32 $0x1, v35;
	[tilespmem:$0x1FFC0] =	vst v3;
	v3 =	vld.idx.msk [tilespmem:v6+s18+$0x0], $0xffff  }
0x71: {  	v33 =	vor.u32 $0x1, v41;
	v38 =	vor.u32 $0x1, v45;
	v53 =	vadd.s32 s0, v31;
	v58 =	vld.idx.msk [tilespmem:v45+s7+$0x0], $0xffff  }
0x72: {  	v37 =	vor.u32 $0x1, v44;
	v56 =	vadd.s32 s0, v32;
	v46 =	vshll.u32 v6, $0x6;
	v45 =	vld.idx.msk [tilespmem:v51+s7+$0x0], $0xffff  }
0x73: {  	v42 =	vadd.s32 s0, v33;
	v30 =	vadd.s32 s0, v38;
	v55 =	vmul.f32 v26, v26;
	v57 =	vld.idx.msk [tilespmem:v44+s7+$0x0], $0xffff  }
0x74: {  	v62 =	vmul.f32 v48, v26;
	v48 =	vimm.f32 $0.0e+00;
	v39 =	vor.u32 $0x1, v46;
	v59 =	vld.idx.msk [tilespmem:v49+s7+$0x0], $0xffff  }
0x75: {  	v35 =	vadd.s32 s0, v37;
	v41 =	vadd.s32 s0, v40;
	v61 =	vmul.f32 v2, v26;
	[tilespmem:$0x1FFD0] =	vst v3;
	v3 =	vld.idx.msk [tilespmem:v5+s18+$0x0], $0xffff  }
0x76: {  	v51 =	vimm.f32 $0.0e+00;
	v34 =	vadd.s32 s0, v39;
	v44 =	vld.idx.msk [tilespmem:v52+s7+$0x0], $0xffff;
	v52 =	vimm.f32 $0.0e+00  }
0x77: {  	v49 =	vimm.f32 $0.0e+00;
	v1 =	vmul.f32 v1, v26;
	v47 =	vld.idx.msk [tilespmem:v46+s7+$0x0], $0xffff;
	v46 =	vadd.f32 v55, v36  }
0x78: {  	v19 =	vld.idx.msk [tilespmem:v9+s18+$0x0], $0xffff;
	v55 =	vimm.f32 $0.0e+00;
	v43 =	vmul.f32 v43, v26;
	v60 =	vmul.f32 v25, v26  }
0x79: {  	s2 =	simm.s32 $0x10;
	v18 =	vld.idx.msk [tilespmem:v8+s18+$0x0], $0xffff;
	v2 =	vmul.f32 v50, v26;
	v63 =	vmul.f32 v54, v26;
	v54 =	vimm.f32 $0.0e+00  }
0x7a: {  	s26 =	simm.s32 $0x2;
	s25 =	simm.s32 $0x1;
	s28 =	sand.u32 $0x380, s2;
	v50 =	vld.idx.msk [tilespmem:v53+s7+$0x0], $0xffff;
	v53 =	vimm.f32 $0.0e+00;
	v25 =	vadd.f32 v43, v36;
	v43 =	vimm.f32 $0.0e+00;
	[tilespmem:$0x1FFE0] =	vst v3  }
.LBB2_10:
0x7b: {  	p0 =	sne.s32 s26, $0x3F;
	s9 =	sand.u32 $0x70, s2;
	s28 =	sadd.s32 s28, s1;
	v4 =	vld.idx.msk [tilespmem:v56+s7+$0x0], $0xffff;
	v36 =	vadd.f32 v1, v36;
	v1 =	vmul.f32 v57, v26;
	v56 =	vmul.f32 v58, v26  }
0x7c: {  	v55 =	vadd.f32 v61, v55;
	v54 =	vadd.f32 v62, v54;
	s9 =	sadd.s32 s9, s28;
	v3 =	vld.idx.msk [tilespmem:v41+s7+$0x0], $0xffff;
	v41 =	vmul.f32 v47, v26  }
0x7d: {  	v61 =	vadd.s32 s25, v27;
	v51 =	vadd.f32 v60, v51;
	v52 =	vadd.f32 v2, v52;
	v2 =	vmovc v59;
	v26 =	vld [tilespmem:s9+$0x0]  }
0x7e: {  	v60 =	vadd.s32 s25, v28;
	v49 =	vadd.f32 v63, v49;
	v53 =	vadd.f32 v1, v53;
	v15 =	vld.idx.msk [tilespmem:v42+s7+$0x0], $0xffff  }
0x7f: {  	v63 =	vadd.s32 s25, v29;
	v48 =	vadd.f32 v56, v48;
	v43 =	vadd.f32 v41, v43;
	v57 =	vld.idx.msk [tilespmem:v35+s7+$0x0], $0xffff  }
0x80: {  	v16 =	vadd.s32 s25, v31;
	v56 =	vadd.s32 s25, v32;
	v58 =	vld.idx.msk [tilespmem:v30+s7+$0x0], $0xffff  }
.Ltmp3:
0x81: {  	v42 =	vadd.s32 s25, v33;
	v35 =	vadd.s32 s25, v37;
	v30 =	vadd.s32 s25, v38;
	v47 =	vld.idx.msk [tilespmem:v34+s7+$0x0], $0xffff;
	(pc) =	sbr.rel @p0 .LBB2_10-.Ltmp3, $4  }
0x82: {  	v41 =	vadd.s32 s25, v40;
	v59 =	vld.idx.msk [tilespmem:v61+s7+$0x0], $0xffff;
	v17 =	vmul.f32 v26, v26;
	v3 =	vmul.f32 v3, v26  }
0x83: {  	v34 =	vadd.s32 s25, v39;
	s25 =	smov.u32 s26;
	v1 =	vmul.f32 v2, v26;
	v61 =	vmul.f32 v45, v26;
	v45 =	vld.idx.msk [tilespmem:v60+s7+$0x0], $0xffff  }
0x84: {  	s2 =	sadd.s32 $0x10, s2;
	v62 =	vmul.f32 v44, v26;
	v60 =	vmul.f32 v50, v26;
	v44 =	vld.idx.msk [tilespmem:v63+s7+$0x0], $0xffff;
	v25 =	vadd.f32 v3, v25  }
0x85: {  	s28 =	sand.u32 $0x380, s2;
	s26 =	sadd.s32 $0x1, s26;
	v2 =	vmul.f32 v4, v26;
	v46 =	vadd.f32 v17, v46;
	v63 =	vmul.f32 v15, v26;
	v50 =	vld.idx.msk [tilespmem:v16+s7+$0x0], $0xffff  }
0x86: {  	s2 =	sand.u32 $0x70, s2;
	s1 =	sadd.s32 s28, s1  }
0x87: {  	s1 =	sadd.s32 s2, s1  }
0x88: {  	v3 =	vld [tilespmem:s1+$0x0];
	_ =	sdelay $0x3  }
0x89: {  	v1 =	vadd.f32 v1, v36;
	v15 =	vadd.f32 v61, v55  }
0x8a: {  	v16 =	vmul.f32 v57, v26;
	v27 =	vadd.f32 v62, v54;
	v4 =	vmul.f32 v3, v3  }
0x8b: {  	v17 =	vmul.f32 v58, v26;
	v31 =	vadd.f32 v60, v51;
	v2 =	vadd.f32 v2, v52  }
0x8c: {  	v29 =	vld.idx.msk [tilespmem:v56+s7+$0x0], $0xffff;
	v28 =	vmul.f32 v59, v3;
	v32 =	vmul.f32 v45, v3;
	v4 =	vadd.f32 v4, v46  }
0x8d: {  	v33 =	vadd.f32 v63, v49;
	v16 =	vadd.f32 v16, v53;
	v63 =	vmul.f32 v44, v3  }
0x8e: {  	v62 =	vld.idx.msk [tilespmem:v42+s7+$0x0], $0xffff;
	v1 =	vadd.f32 v28, v1;
	v15 =	vadd.f32 v32, v15;
	v4 =	vmul.f32 $5.000000000e-01, v4  }
0x8f: {  	v17 =	vadd.f32 v17, v48;
	v40 =	vmul.f32 v50, v3;
	v27 =	vadd.f32 v63, v27  }
0x90: {  	v42 =	vmul.f32 v47, v26;
	v35 =	vld.idx.msk [tilespmem:v35+s7+$0x0], $0xffff;
	v1 =	vsub.f32 v1, v4;
	v15 =	vsub.f32 v15, v4  }
0x91: {  	v29 =	vmul.f32 v29, v3;
	v31 =	vadd.f32 v40, v31;
	v45 =	vsub.f32 v27, v4  }
0x92: {  	v61 =	vimm.s32 $0x0;
	v44 =	vld.idx.msk [tilespmem:v30+s7+$0x0], $0xffff;
	v1 =	vadd.f32 v1, v24;
	v15 =	vadd.f32 v15, v23  }
0x93: {  	v26 =	vadd.f32 v42, v43;
	v46 =	vmul.f32 v62, v3;
	v2 =	vadd.f32 v29, v2  }
0x94: {  	v47 =	vld.idx.msk [tilespmem:v34+s7+$0x0], $0xffff;
	v48 =	vsub.f32 v31, v4;
	v22 =	vadd.f32 v45, v22;
	vm0 =	vgt.f32 v15, v1  }
0x95: {  	v49 =	vmul.f32 v35, v3;
	v27 =	vadd.f32 v46, v33;
	v50 =	vsel vm0, v15, v1  }
0x96: {  	v51 =	vld.idx.msk [tilespmem:v41+s7+$0x0], $0xffff;
	v2 =	vsub.f32 v2, v4;
	v21 =	vadd.f32 v48, v21;
	vm1 =	vgt.f32 v22, v50  }
0x97: {  	v16 =	vadd.f32 v49, v16;
	v52 =	vmul.f32 v44, v3;
	v53 =	vsel vm1, v22, v50  }
0x98: {  	v2 =	vadd.f32 v2, v20;
	v54 =	vsub.f32 v27, v4;
	vm2 =	vgt.f32 v21, v53  }
0x99: {  	v60 =	vld [tilespmem:$0x1FFC0];
	v55 =	vmul.f32 v47, v3;
	v16 =	vsub.f32 v16, v4;
	v56 =	vsel vm2, v21, v53  }
0x9a: {  	v63 =	vld [tilespmem:$0x1FFD0];
	v17 =	vadd.f32 v52, v17;
	v19 =	vadd.f32 v54, v19;
	vm3 =	vgt.f32 v2, v56  }
0x9b: {  	v57 =	vadd.f32 v55, v26;
	v3 =	vmul.f32 v51, v3;
	v23 =	vsel vm3, v2, v56  }
0x9c: {  	v16 =	vadd.f32 v16, v18;
	v17 =	vsub.f32 v17, v4;
	vm4 =	vgt.f32 v19, v23  }
0x9d: {  	v29 =	vld [tilespmem:$0x1FFE0];
	v58 =	vsub.f32 v57, v4;
	v3 =	vadd.f32 v3, v25;
	v59 =	vsel vm4, v19, v23  }
0x9e: {  	v17 =	vadd.f32 v17, v60;
	v62 =	vsel vm0, $0x1, v61;
	vm12 =	vgt.f32 v16, v59  }
0x9f: {  	v18 =	vadd.f32 v58, v63;
	v23 =	vsel vm1, $0x2, v62;
	v20 =	vsel vm12, v16, v59  }
0xa0: {  	v3 =	vsub.f32 v3, v4;
	v28 =	vsel vm2, $0x3, v23;
	vm13 =	vgt.f32 v17, v20  }
0xa1: {  	v4 =	vsel vm3, $0x4, v28;
	v20 =	vsel vm13, v17, v20  }
0xa2: {  	v3 =	vadd.f32 v3, v29;
	v4 =	vsel vm4, $0x5, v4;
	vm1 =	vgt.f32 v18, v20  }
0xa3: {  	v4 =	vsel vm12, $0x6, v4;
	v20 =	vsel vm1, v18, v20  }
0xa4: {  	v4 =	vsel vm13, $0x7, v4;
	vm14 =	vgt.f32 v3, v20  }
0xa5: {  	v4 =	vsel vm1, $0x8, v4;
	vm4 =	vmneg vm14  }
0xa6: {  	v4 =	vnsel vm4, $0x9, v4  }
0xa7: {  	vm6 =	veq.s32 v4, $0x0;
	vm15 =	veq.s32 v4, $0x1  }
0xa8: {  	v30 =	vimm.s32 $0x0;
	v1 =	vsel vm6, $0xF149F2CA, v1;
	v15 =	vsel vm15, $0xF149F2CA, v15  }
0xa9: {  	v31 =	vimm.s32 $0x0;
	vm5 =	veq.s32 v4, $0x2;
	vm2 =	vgt.f32 v15, v1  }
0xaa: {  	v23 =	vsel vm15, $0xFFFFFFFF, v30;
	v22 =	vsel vm5, $0xF149F2CA, v22;
	v32 =	vsel vm2, v15, v1  }
0xab: {  	vm7 =	veq.s32 v4, $0x3;
	[tilespmem:$0x1FF70] =	vst v23;
	v23 =	vsel vm5, $0xFFFFFFFF, v31;
	vm10 =	vgt.f32 v22, v32  }
0xac: {  	v21 =	vsel vm7, $0xF149F2CA, v21;
	[tilespmem:$0x1FF80] =	vst v23;
	v23 =	vsel vm10, v22, v32  }
0xad: {  	vm5 =	veq.s32 v4, $0x4;
	vm11 =	vgt.f32 v21, v23  }
0xae: {  	v2 =	vsel vm5, $0xF149F2CA, v2;
	v23 =	vsel vm11, v21, v23  }
0xaf: {  	vm8 =	veq.s32 v4, $0x5;
	vm13 =	vgt.f32 v2, v23  }
0xb0: {  	v19 =	vsel vm8, $0xF149F2CA, v19;
	v23 =	vsel vm13, v2, v23  }
0xb1: {  	v33 =	vimm.s32 $0x0;
	vm9 =	veq.s32 v4, $0x6;
	vm14 =	vgt.f32 v19, v23  }
0xb2: {  	vm12 =	veq.s32 v4, $0x7;
	v16 =	vsel vm9, $0xF149F2CA, v16;
	v23 =	vsel vm14, v19, v23  }
0xb3: {  	v24 =	vsel vm7, $0xFFFFFFFF, v33;
	v34 =	vsel vm2, $0x1, v61;
	vm15 =	vgt.f32 v16, v23  }
0xb4: {  	v17 =	vsel vm12, $0xF149F2CA, v17;
	v4 =	vsel vm10, $0x2, v34;
	v23 =	vsel vm15, v16, v23  }
0xb5: {  	vm10 =	vmand vm1, vm4;
	v4 =	vsel vm11, $0x3, v4;
	vm7 =	vgt.f32 v17, v23  }
0xb6: {  	v39 =	vld [tilespmem:$0x1FF70];
	v18 =	vsel vm10, $0xF149F2CA, v18;
	v4 =	vsel vm13, $0x4, v4;
	v23 =	vsel vm7, v17, v23  }
0xb7: {  	v35 =	vimm.s32 $0x0;
	v40 =	vld [tilespmem:$0x1FF80];
	v4 =	vsel vm14, $0x5, v4;
	vm14 =	vgt.f32 v18, v23  }
0xb8: {  	v36 =	vnsel vm4, $0xF149F2CA, v3;
	v4 =	vsel vm15, $0x6, v4;
	v23 =	vsel vm14, v18, v23  }
0xb9: {  	[tilespmem:$0x1FF90] =	vst v24;
	v24 =	vsel vm10, $0xFFFFFFFF, v35;
	v4 =	vsel vm7, $0x7, v4;
	vm10 =	vgt.f32 v36, v23  }
0xba: {  	v37 =	vimm.s32 $0x0;
	v4 =	vsel vm14, $0x8, v4;
	vm3 =	vmneg vm10  }
0xbb: {  	v38 =	vnsel vm6, $0x0, v14;
	vm6 =	vnez.u8 v39;
	v4 =	vnsel vm3, $0x9, v4  }
0xbc: {  	v41 =	vld [tilespmem:$0x1FF90];
	vm10 =	vnez.u8 v40;
	vm13 =	veq.s32 v4, $0x0;
	vm7 =	veq.s32 v4, $0x1  }
0xbd: {  	vm11 =	veq.s32 v4, $0x2;
	v1 =	vsel vm13, $0xF149F2CA, v1;
	v15 =	vsel vm7, $0xF149F2CA, v15  }
0xbe: {  	v48 =	vnsel vm3, $0xF149F2CA, v36;
	v26 =	vsel vm11, $0xFFFFFFFF, v37;
	vm15 =	vgt.f32 v15, v1  }
0xbf: {  	v22 =	vsel vm11, $0xF149F2CA, v22;
	vm11 =	veq.s32 v4, $0x3;
	v1 =	vsel vm15, v15, v1  }
0xc0: {  	v49 =	vnsel vm13, $0x0, v14;
	v21 =	vsel vm11, $0xF149F2CA, v21;
	vm2 =	vgt.f32 v22, v1  }
0xc1: {  	v15 =	vsel vm6, v11, v38;
	vm6 =	vnez.u8 v41;
	v1 =	vsel vm2, v22, v1  }
0xc2: {  	v15 =	vsel vm10, v10, v15;
	vm10 =	veq.s32 v4, $0x4;
	vm1 =	vgt.f32 v21, v1  }
0xc3: {  	v43 =	vsel vm15, $0x1, v61;
	v2 =	vsel vm10, $0xF149F2CA, v2;
	v1 =	vsel vm1, v21, v1  }
0xc4: {  	v15 =	vsel vm6, v13, v15;
	vm6 =	veq.s32 v4, $0x5;
	vm0 =	vgt.f32 v2, v1  }
0xc5: {  	v15 =	vsel vm5, v12, v15;
	v19 =	vsel vm6, $0xF149F2CA, v19;
	v1 =	vsel vm0, v2, v1  }
0xc6: {  	vm5 =	veq.s32 v4, $0x6;
	v15 =	vsel vm8, v9, v15;
	vm8 =	vgt.f32 v19, v1  }
0xc7: {  	[tilespmem:$0x1FFA0] =	vst v24;
	v44 =	vsel vm2, $0x2, v43;
	v42 =	vsel vm5, $0xF149F2CA, v16;
	v1 =	vsel vm8, v19, v1  }
0xc8: {  	v47 =	vld [tilespmem:$0x1FFA0];
	v2 =	vsel vm9, v8, v15;
	vm9 =	veq.s32 v4, $0x7;
	vm15 =	vgt.f32 v42, v1  }
0xc9: {  	[tilespmem:$0x1FFB0] =	vst v26;
	v4 =	vsel vm1, $0x3, v44;
	v45 =	vsel vm9, $0xF149F2CA, v17;
	v1 =	vsel vm15, v42, v1  }
0xca: {  	v50 =	vld [tilespmem:$0x1FFB0];
	v2 =	vsel vm12, v7, v2;
	vm12 =	vmand vm14, vm3;
	vm1 =	vgt.f32 v45, v1  }
0xcb: {  	v4 =	vsel vm0, $0x4, v4;
	v46 =	vsel vm12, $0xF149F2CA, v18;
	v1 =	vsel vm1, v45, v1  }
0xcc: {  	v15 =	vsel vm7, v11, v49;
	v4 =	vsel vm8, $0x5, v4;
	vm2 =	vgt.f32 v46, v1  }
0xcd: {  	v56 =	vld [tilespmem:$0x1FFF0];
	vm14 =	vnez.u8 v47;
	v4 =	vsel vm15, $0x6, v4;
	v1 =	vsel vm2, v46, v1  }
0xce: {  	v2 =	vsel vm14, v6, v2;
	v4 =	vsel vm1, $0x7, v4;
	vm13 =	vgt.f32 v48, v1  }
0xcf: {  	vm14 =	vnez.u8 v50;
	v4 =	vsel vm2, $0x8, v4;
	vm7 =	vmneg vm13  }
0xd0: {  	v3 =	vsel vm4, v20, v3;
	v15 =	vsel vm14, v10, v15;
	v4 =	vnsel vm7, $0x9, v4  }
0xd1: {  	v2 =	vsel vm4, v2, v5;
	v15 =	vsel vm11, v13, v15;
	vm15 =	veq.s32 v4, $0x0  }
0xd2: {  	v57 =	vadd.s32 v56, v2;
	vm4 =	veq.s32 v4, $0x1;
	v51 =	vnsel vm15, $0x0, v14  }
0xd3: {  	v15 =	vsel vm10, v12, v15;
	vm8 =	veq.s32 v4, $0x2;
	v52 =	vsel vm4, v11, v51  }
0xd4: {  	v15 =	vsel vm6, v9, v15;
	vm10 =	veq.s32 v4, $0x3;
	v54 =	vsel vm8, v10, v52  }
0xd5: {  	v53 =	vsel vm5, v8, v15;
	vm11 =	veq.s32 v4, $0x4;
	v10 =	vsel vm10, v13, v54  }
0xd6: {  	v55 =	vsel vm9, v7, v53;
	vm13 =	veq.s32 v4, $0x5;
	v10 =	vsel vm11, v12, v10  }
0xd7: {  	s28 =	smul.u32 $0x30, s6;
	vm14 =	veq.s32 v4, $0x6;
	v11 =	vsel vm12, v6, v55;
	v58 =	vsel vm13, v9, v10  }
0xd8: {  	vm15 =	veq.s32 v4, $0x7;
	v59 =	vsel vm3, v11, v5;
	v60 =	vsel vm14, v8, v58  }
0xd9: {  	[tilespmem:s28+$0x13900] =	vst v3;
	v3 =	vadd.s32 v56, v59;
	v4 =	vsel vm15, v7, v60  }
0xda: {  	v61 =	vimm.f32 $1.000000000e+00;
	[tilespmem:s28+$0x13A80] =	vst v2;
	v2 =	vsel vm2, v6, v4  }
0xdb: {  	s6 =	sadd.s32 $0x1, s6;
	v62 =	vsel vm3, v23, v36;
	[tilespmem:v57+s22+$0x0] =	vst.idx.add.f32.msk $0xffff, v61;
	v2 =	vsel vm7, v2, v5  }
0xdc: {  	p0 =	sne.s32 s6, $0x8;
	[tilespmem:s28+$0x13910] =	vst v62;
	v63 =	vadd.s32 v56, v2  }
.Ltmp4:
0xdd: {  	[tilespmem:s28+$0x13A90] =	vst v59;
	(pc) =	sbr.rel @p0 .LBB2_9-.Ltmp4, $4  }
0xde: {  	v1 =	vsel vm7, v1, v48;
	[tilespmem:v3+s22+$0x0] =	vst.idx.add.f32.msk $0xffff, v61  }
0xdf: {  	[tilespmem:s28+$0x13920] =	vst v1  }
0xe0: {  	[tilespmem:s28+$0x13AA0] =	vst v2  }
0xe1: {  	[tilespmem:v63+s22+$0x0] =	vst.idx.add.f32.msk $0xffff, v61  }
0xe2: {  	s1 =	smul.u32 $0x30, s31;
	_ =	sdelay $0x1  }
0xe3: {  	s0 =	simm.s32 $0x0;
	s2 =	sadd.s32 s5, s1  }
0xe4: {  	[hbm4b:s2+s0] =	stream.linear.scatter [tilespmem:s23], [sflag:$0x1], $0x180, $0x38;
	[tilespmem:$0x18000] =	vst v63  }
0xe5: {  	s30 =	sadd.s32 $0x1, s30;
	_ =	swait.ge [sflag:s15], $0x180  }
0xe6: {  	p0 =	sne.s32 s30, $0x20;
	[sflag:s15] =	ssyncset.done $0x0  }
.Ltmp5:
0xe7: {  	s1 =	sadd.s32 s11, s1;
	[sflag:s15] =	ssyncadd.s32 $0xFFFFFE80;
	(pc) =	sbr.rel @p0 .LBB2_8-.Ltmp5, $4  }
0xe8: {  	[hbm4b:s1+s0] =	stream.linear.scatter [tilespmem:s24], [sflag:$0x1], $0x180, $0x38;
	[tilespmem:$0x18000] =	vst v63  }
0xe9: {  	_ =	swait.ge [sflag:s15], $0x180  }
0xea: {  	[sflag:s15] =	ssyncset.done $0x0  }
0xeb: {  	[sflag:s15] =	ssyncadd.s32 $0xFFFFFE80  }
0xec: {  	s1 =	simm.s32 $0x13C00  }
0xed: {  	v1 =	vld [tilespmem:s1+$0x0]  }
0xee: {  	s0 =	sand.u32 $0x3F0, s0  }
0xef: {  	v2 =	vld [tilespmem:s0+$0x14000];
	_ =	sdelay $0x1  }
0xf0: {  	v3 =	vld [tilespmem:s0+$0x14400]  }
0xf1: {  	v1 =	vadd.f32 $0.0e+00, v1  }
0xf2: {  	v4 =	vld [tilespmem:s0+$0x14800]  }
0xf3: {  	v1 =	vadd.f32 v2, v1  }
0xf4: {  	v2 =	vld [tilespmem:s0+$0x14C00]  }
0xf5: {  	v1 =	vadd.f32 v3, v1  }
0xf6: {  	v3 =	vld [tilespmem:s0+$0x15000]  }
0xf7: {  	v1 =	vadd.f32 v4, v1  }
0xf8: {  	v60 =	vld [tilespmem:s0+$0x15400]  }
0xf9: {  	v1 =	vadd.f32 v2, v1  }
0xfa: {  	v2 =	vld [tilespmem:s0+$0x15800]  }
0xfb: {  	v1 =	vadd.f32 v3, v1  }
0xfc: {  	v3 =	vld [tilespmem:s0+$0x15C00]  }
0xfd: {  	v1 =	vadd.f32 v60, v1  }
0xfe: {  	v61 =	vld [tilespmem:s0+$0x16000]  }
0xff: {  	v1 =	vadd.f32 v2, v1  }
0x100: {  	v2 =	vld [tilespmem:s0+$0x16400]  }
0x101: {  	v1 =	vadd.f32 v3, v1  }
0x102: {  	v3 =	vld [tilespmem:s0+$0x16800]  }
0x103: {  	v1 =	vadd.f32 v61, v1  }
0x104: {  	v62 =	vld [tilespmem:s0+$0x16C00]  }
0x105: {  	v1 =	vadd.f32 v2, v1  }
0x106: {  	v2 =	vld [tilespmem:s0+$0x17000]  }
0x107: {  	v1 =	vadd.f32 v3, v1  }
0x108: {  	v3 =	vld [tilespmem:s0+$0x17400]  }
0x109: {  	v1 =	vadd.f32 v62, v1  }
0x10a: {  	v63 =	vld [tilespmem:s0+$0x17800]  }
0x10b: {  	v1 =	vadd.f32 v2, v1;
	_ =	sdelay $0x1  }
0x10c: {  	v1 =	vadd.f32 v3, v1;
	_ =	sdelay $0x1  }
0x10d: {  	v1 =	vadd.f32 v63, v1  }
0x10e: {  	s0 =	simm.s32 $0x17C00  }
0x10f: {  	s1 =	simm.s32 $0x13C10;
	[tilespmem:s0+$0x0] =	vst v1  }
0x110: {  	s6 =	simm.s32 $0x10;
	s30 =	simm.s32 $0x20;
	v1 =	vld [tilespmem:s1+$0x0]  }
.LBB2_14:
0x111: {  	p0 =	sne.s32 s30, $0x3F0;
	s2 =	sand.u32 $0x3F0, s6;
	s6 =	smov.u32 s30  }
0x112: {  	v2 =	vld [tilespmem:s2+$0x14000];
	_ =	sdelay $0x1  }
0x113: {  	v3 =	vld [tilespmem:s2+$0x14400]  }
0x114: {  	v1 =	vadd.f32 $0.0e+00, v1  }
0x115: {  	v4 =	vld [tilespmem:s2+$0x14800]  }
0x116: {  	v1 =	vadd.f32 v2, v1  }
0x117: {  	v2 =	vld [tilespmem:s2+$0x14C00]  }
0x118: {  	v1 =	vadd.f32 v3, v1  }
0x119: {  	v3 =	vld [tilespmem:s2+$0x15000]  }
0x11a: {  	v1 =	vadd.f32 v4, v1  }
0x11b: {  	v4 =	vld [tilespmem:s2+$0x15400]  }
0x11c: {  	v1 =	vadd.f32 v2, v1  }
0x11d: {  	v2 =	vld [tilespmem:s2+$0x15800]  }
0x11e: {  	v1 =	vadd.f32 v3, v1  }
0x11f: {  	v3 =	vld [tilespmem:s2+$0x15C00]  }
0x120: {  	v1 =	vadd.f32 v4, v1  }
0x121: {  	v4 =	vld [tilespmem:s2+$0x16000]  }
0x122: {  	v1 =	vadd.f32 v2, v1  }
0x123: {  	v2 =	vld [tilespmem:s2+$0x16400]  }
0x124: {  	v1 =	vadd.f32 v3, v1  }
0x125: {  	v3 =	vld [tilespmem:s2+$0x16800]  }
0x126: {  	v1 =	vadd.f32 v4, v1  }
0x127: {  	v4 =	vld [tilespmem:s2+$0x16C00]  }
0x128: {  	v1 =	vadd.f32 v2, v1  }
0x129: {  	v2 =	vld [tilespmem:s2+$0x17000]  }
0x12a: {  	v1 =	vadd.f32 v3, v1  }
0x12b: {  	v3 =	vld [tilespmem:s2+$0x17400]  }
0x12c: {  	v1 =	vadd.f32 v4, v1  }
0x12d: {  	v4 =	vld [tilespmem:s2+$0x17800]  }
0x12e: {  	v1 =	vadd.f32 v2, v1;
	_ =	sdelay $0x1  }
0x12f: {  	v1 =	vadd.f32 v3, v1  }
.Ltmp6:
0x130: {  	(pc) =	sbr.rel @p0 .LBB2_14-.Ltmp6, $4  }
0x131: {  	v1 =	vadd.f32 v4, v1  }
0x132: {  	s0 =	sadd.s32 $0x10, s0  }
0x133: {  	s1 =	sadd.s32 $0x10, s1;
	[tilespmem:s0+$0x0] =	vst v1  }
0x134: {  	s30 =	sadd.s32 $0x10, s30;
	v1 =	vld [tilespmem:s1+$0x0]  }
0x135: {  	s1 =	sand.u32 $0x3F0, s6  }
0x136: {  	v2 =	vld [tilespmem:s1+$0x14000];
	_ =	sdelay $0x1  }
0x137: {  	v3 =	vld [tilespmem:s1+$0x14400]  }
0x138: {  	v1 =	vadd.f32 $0.0e+00, v1  }
0x139: {  	v4 =	vld [tilespmem:s1+$0x14800]  }
0x13a: {  	v1 =	vadd.f32 v2, v1  }
0x13b: {  	v2 =	vld [tilespmem:s1+$0x14C00]  }
0x13c: {  	v1 =	vadd.f32 v3, v1  }
0x13d: {  	v3 =	vld [tilespmem:s1+$0x15000]  }
0x13e: {  	v1 =	vadd.f32 v4, v1  }
0x13f: {  	v4 =	vld [tilespmem:s1+$0x15400]  }
0x140: {  	v1 =	vadd.f32 v2, v1  }
0x141: {  	v2 =	vld [tilespmem:s1+$0x15800]  }
0x142: {  	v1 =	vadd.f32 v3, v1  }
0x143: {  	v3 =	vld [tilespmem:s1+$0x15C00]  }
0x144: {  	v1 =	vadd.f32 v4, v1  }
0x145: {  	v4 =	vld [tilespmem:s1+$0x16000]  }
0x146: {  	v1 =	vadd.f32 v2, v1  }
0x147: {  	v2 =	vld [tilespmem:s1+$0x16400]  }
0x148: {  	v1 =	vadd.f32 v3, v1  }
0x149: {  	v3 =	vld [tilespmem:s1+$0x16800]  }
0x14a: {  	v1 =	vadd.f32 v4, v1  }
0x14b: {  	v4 =	vld [tilespmem:s1+$0x16C00]  }
0x14c: {  	v1 =	vadd.f32 v2, v1  }
0x14d: {  	v2 =	vld [tilespmem:s1+$0x17000]  }
0x14e: {  	v1 =	vadd.f32 v3, v1  }
0x14f: {  	v3 =	vld [tilespmem:s1+$0x17400]  }
0x150: {  	v1 =	vadd.f32 v4, v1  }
0x151: {  	v4 =	vld [tilespmem:s1+$0x17800]  }
0x152: {  	v1 =	vadd.f32 v2, v1;
	_ =	sdelay $0x1  }
0x153: {  	v1 =	vadd.f32 v3, v1;
	_ =	sdelay $0x1  }
0x154: {  	s29 =	sadd.s32 $0x1, s29;
	v1 =	vadd.f32 v4, v1  }
0x155: {  	s0 =	sadd.s32 $0x10, s0;
	s30 =	simm.s32 $0x80;
	p0 =	sne.s32 s29, s14  }
.Ltmp7:
0x156: {  	s31 =	simm.s32 $0x400;
	s2 =	simm.s32 $0x17C00;
	[tilespmem:s0+$0x0] =	vst v1;
	(pc) =	sbr.rel @p0 .LBB2_1-.Ltmp7, $4  }
0x157: {  	[hbm4b:s13+s30] =	stream.strided.scatter [tilespmem:s2], [sflag:$0x1], $0x400, s31, s30, $0x38;
	[tilespmem:$0x18000] =	vst v63  }
0x158: {  	_ =	swait.ge [sflag:s15], $0x400  }
0x159: {  	[sflag:s15] =	ssyncset.done $0x0  }
0x15a: {  	v3 =	vimm.f32 $0.0e+00;
	[sflag:s15] =	ssyncadd.s32 $0xFFFFFC00  }
0x15b: {  	_ =	sfence.sel $0x180000  }
0x15c: {  	[bflag:$0x0] =	sbarrier.arrive $0xFFFF  }
0x15d: {  	_ =	strace $0x9000004A  }
0x15e: {  	s0 =	stileid.u32;
	[bflag:$0x2] =	sbarrier.arrive $0xFFFF  }
0x15f: {  	p0 =	sne.s32 s0, $0x0;
	s0 =	rddreg [dreg:$0x6]  }
0x160: {  	s0 =	sadd.s32 @!p0 $0x100000, s0  }
0x161: {  	[sflag:s0] =	ssyncadd.tile.s32 @!p0 $0x1;
	_ =	shalt  }
.Lfunc_end2:
_tile_overlayer_lowered:
.L_overlay_start_2:
0x162: {  	(tag) =	ssettag $0x2  }
0x163: {  	s0 =	rddreg [dreg:$0x0];
	s2 =	stileid.u32  }
0x164: {  	s1 =	rddreg [dreg:$0x1];
	p0 =	sne.s32 s2, $0x0  }
0x165: {  	s3 =	rddreg [dreg:$0x2];
	[bflag:$0x3] =	sbarrier.arrive $0xFFFF;
	s2 =	simm.s32 @!p0 $0x1C01  }
0x166: {  	[timem:s3], [sflag:s2] =	dma.local @!p0 [hbm:s0], s1  }
0x167: {  	s0 =	simm.s32 @!p0 $0x1  }
0x168: {  	_ =	swait.ge @!p0 [sflag:s0], s1  }
0x169: {  	s1 =	ssub.s32 @!p0 $0x0, s1;
	[sflag:s0] =	ssyncset.done @!p0 $0x0  }
0x16a: {  	[sflag:s0] =	ssyncadd.s32 @!p0 s1  }
0x16b: {  	[bflag:$0x3] =	sbarrier.arrive $0xFFFF  }
0x16c: {  	_ =	shalt  }

// kernel: sparse-core-data-format-call.cloned.1.call-start
scs
called_computation_lowered:
.L_overlay_start_0:
0x0: {  	s1 =	sld [smem:$0x3FD9]  }
0x1: {  	s2 =	sld [smem:$0x3FFE];
	_ =	sdelay $0x1  }
0x2: {  	s3 =	srdreg.scid  }
0x3: {  	s0 =	sand.u32 $0x1, s3  }
0x4: {  	s17 =	sshll.u32 s0, $0xA;
	s1 =	sadd.s32 s2, s1  }
0x5: {  	s1 =	sadd.s32 s1, s17  }
0x6: {  	[smem:$0x3FC1] =	sst s1  }
0x7: {  	_ = 	snop  }
0x8: {  	(tm) =	ssettm $0x1  }
0x9: {  	s18 =	sld [smem:$0x3FFB];
	_ =	sdelay $0x3  }
0xa: {  	_ =	strace s18  }
0xb: {  	s1 =	sld [smem:$0x3FFC];
	_ =	sdelay $0x3  }
0xc: {  	_ =	strace s1  }
0xd: {  	s1 =	sld [smem:$0x3FFD];
	_ =	sdelay $0x3  }
0xe: {  	_ =	strace s1  }
0xf: {  	_ =	strace $0x8FFFFFFF  }
0x10: {  	s19 =	sld [smem:$0x3FDB];
	_ =	sdelay $0x1  }
0x11: {  	s20 =	simm.s32 $_scs_section_size  }
0x12: {  	s4 =	simm.s32 $_size__tile_overlayer_lowered;
	s5 =	simm.s32 $_tile_overlayer_lowered  }
0x13: {  	s23 =	simm.s32 $0x1BFF;
	s22 =	sshll.u32 s5, $0x1;
	s1 =	sadd.s32 s20, s19  }
0x14: {  	s6 =	simm.s32 $0x0;
	s21 =	sshll.u32 s4, $0x1;
	s4 =	sadd.s32 s22, s1  }
0x15: {  	[timem:s6], [sflag:s23] =	dma.local [hbm:s4], s21  }
0x16: {  	_ =	swait.ge [sflag:s23], s21  }
0x17: {  	s2 =	ssub.s32 $0x0, s21;
	[sflag:s23] =	ssyncset.done $0x0  }
0x18: {  	[sflag:s23] =	ssyncadd.s32 s2;
	_ =	sdelay $0x1  }
0x19: {  	s24 =	simm.s32 $0x1B8B  }
0x1a: {  	_ =	swait.ge [sflag:s24], $0x1  }
0x1b: {  	[sflag:s24] =	ssyncset.done $0x0  }
0x1c: {  	s26 =	simm.s32 $0x1B8E;
	s25 =	sld [smem:$0x3FFE];
	[sflag:s24] =	ssyncadd.s32 $0xFFFFFFFF  }
0x1d: {  	s27 =	simm.s32 $execute0_lowered;
	[smem:$0x3FD2] =	sst s26  }
0x1e: {  	s4 =	sshll.u32 s27, $0x1;
	_ =	strace $0x80000046;
	[dreg:$0x1] =	wrdreg $0xFFFFFFFF  }
0x1f: {  	s28 =	simm.s32 $_size_execute0_lowered;
	s1 =	sadd.s32 s1, s4;
	[dreg:$0x0] =	wrdreg $0x0  }
0x20: {  	s4 =	sshll.u32 s28, $0x1;
	[dreg:$0x2] =	wrdreg s1  }
0x21: {  	[dreg:$0x3] =	wrdreg s4  }
0x22: {  	[dreg:$0x4] =	wrdreg $0xC0  }
0x23: {  	_ =	task [dreg:s6], $0x5FFFF  }
0x24: {  	[dreg:$0x1] =	wrdreg $0xFFFFFFFF  }
0x25: {  	[dreg:$0x0] =	wrdreg $0x60  }
0x26: {  	[dreg:$0x2] =	wrdreg s25  }
0x27: {  	[dreg:$0x3] =	wrdreg $0x9  }
0x28: {  	_ =	task.clear_ibuf [dreg:s6], $0x4FFFF;
	_ =	strace $0x90000046  }
0x29: {  	s29 =	simm.s32 $0x9;
	_ =	strace $0x80000048  }
0x2a: {  	_ =	swait.ge [sflag:s29], $0x1  }
0x2b: {  	[sflag:s29] =	ssyncadd.s32 $0xFFFFFFFF  }
0x2c: {  	_ =	strace $0x90000048  }
0x2d: {  	_ =	sfence  }
0x2e: {  	s30 =	sld [smem:$0x0];
	_ =	sdelay $0x2  }
0x2f: {  	s31 =	sshll.u32 s3, $0xD;
	s3 =	sshrl.u32 s3, $0x2  }
0x30: {  	s2 =	sand.u32 $0x4000, s31;
	s1 =	sadd.s32 s3, s30  }
0x31: {  	s0 =	sor.u32 s2, s0;
	s1 =	sshll.u32 s1, $0x11  }
0x32: {  	s0 =	sor.u32 s1, s0  }
0x33: {  	s0 =	sadd.s32 $0x8F2B, s0  }
0x34: {  	[sflag:s0] =	ssyncadd.remote.s32 $0x1  }
0x35: {  	_ =	sfence.sel $0xFFFF  }
0x36: {  	[dreg:$0x0] =	wrdreg $0xFFFFFFFF;
	(pc) =	sbr.abs _section_cstart, $3  }
0x37: {  	[dreg:$0x1] =	wrdreg $0xFFFFFFFF  }
0x38: {  	_ =	task.clear_ibuf [dreg:s6], $0x2FFFF;
	_ =	strace $0x9FFFFFFF  }
0x39: {  	(tm) =	ssettm $0x7FFFFFFF  }
tec
execute0_lowered:
.L_overlay_start_1:
0x0: {  	(tag) =	ssettag $0x1  }
0x1: {  	s0 =	srdreg.scid  }
0x2: {  	s5 =	rddreg [dreg:$0x0];
	s1 =	sshll.u32 s0, $0x4  }
0x3: {  	s4 =	simm.s32 $0x1;
	s0 =	stileid.u32;
	s1 =	sand.u32 $0x10, s1  }
0x4: {  	s8 =	simm.s32 $0x2;
	s12 =	simm.s32 $0x0;
	s2 =	sor.u32 s0, s1  }
0x5: {  	s9 =	simm.s32 $0x80;
	s11 =	simm.s32 $0x0;
	s2 =	sshll.u32 s2, $0x4  }
0x6: {  	s3 =	sadd.s32 $0x1200, s5;
	s5 =	sadd.s32 $0x201200, s5;
	s6 =	ssub.s32 $0x2000, s2  }
.Ltmp0:
0x7: {  	s1 =	rddreg [dreg:$0x1];
	s7 =	sand.u32 $0x1F0, s6;
	(pc) =	sbr.rel .LBB1_1-.Ltmp0, $4  }
0x8: {  	_ =	strace $0x80000047;
	p0 =	sne.s32 s7, $0x0;
	s7 =	simm.s32 $0x1  }
0x9: {  	[sflag:s4] =	ssyncpa.u1 $0x0;
	s6 =	sshrl.u32 s6, $0x9;
	s7 =	simm.s32 @!p0 $0x0  }
0xa: {  	[sflag:s8] =	ssyncpa.u1 $0x0;
	s8 =	simm.s32 $0x10;
	s6 =	sadd.s32 s7, s6  }
0xb: {  	s10 =	smov.u32 s2;
	p0 =	por $0x0, $0x0;
	s7 =	sadd.s32 $0x1, s6  }
.LBB1_7:
0xc: {  	s14 =	sadd.s32 $0x200, s10  }
0xd: {  	p2 =	sgt.s32 s14, $0x1FFF  }
0xe: {  	s14 =	smov.u32 @p2 s2;
	p2 =	sne.s32 s11, s7  }
.Ltmp1:
0xf: {  	p1 =	slt.u32 s11, $0x2;
	(pc) =	sbr.rel @!p2 .LBB1_8-.Ltmp1, $4  }
0x10: {  	s13 =	simm.s32 @!p1 $0x2  }
0x11: {  	s15 =	sadd.s32 $0x1, s11;
	_ =	swait.ge @!p1 [sflag:s13], $0x4000  }
0x12: {  	s12 =	smov.u32 s10;
	p0 =	por !p0, !p0;
	[sflag:s13] =	ssyncset.done @!p1 $0x0  }
0x13: {  	s11 =	smov.u32 s15;
	s10 =	smov.u32 s14;
	[sflag:s13] =	ssyncadd.s32 @!p1 $0xFFFFC000  }
.LBB1_1:
0x14: {  	p1 =	sge.u32 s11, s6  }
0x15: {  	s31 =	sadd.s32 $0xFFFFFFFF, s11;
	s13 =	sxor.u32 @!p1 $0xFFFFFFFF, s11  }
0x16: {  	s14 =	sshll.u32 @!p1 s10, $0x8;
	s15 =	simm.s32 @!p1 $0x40;
	s13 =	sshll.u32 @!p1 s13, $0xE  }
0x17: {  	s16 =	simm.s32 @!p1 $0x80;
	s14 =	sadd.s32 @!p1 s3, s14;
	s13 =	sand.u32 @!p1 $0x4000, s13  }
0x18: {  	[tilespmem:s13], [sflag:$0x1] =	stream.strided.gather @!p1 [hbm4b:s14+s15], $0x4000, s16, s15, $0x38;
	[tilespmem:$0x10800] =	vst v63  }
0x19: {  	p1 =	sge.u32 s31, s6  }
.Ltmp2:
0x1a: {  	_ = 	snop;
	(pc) =	sbr.rel @p1 .LBB1_7-.Ltmp2, $1  }
0x1b: {  	_ =	sdelay $0x3  }
0x1c: {  	s14 =	simm.s32 $0x1;
	s15 =	sand.u32 $0x1, s11  }
0x1d: {  	s14 =	simm.s32 @!p0 $0x0;
	s15 =	smul.u32 $0x11000, s15  }
0x1e: {  	_ =	swait.ge [sflag:s4], $0x4000;
	s13 =	smul.u32 $0x11000, s14  }
0x1f: {  	s16 =	simm.s32 $0x0;
	[sflag:s4] =	ssyncset.done $0x0;
	s14 =	sshll.u32 s14, $0xE  }
0x20: {  	[sflag:s4] =	ssyncadd.s32 $0xFFFFC000;
	s15 =	sshrl.u32 s15, $0x2;
	s13 =	sshrl.u32 s13, $0x2  }
0x21: {  	s14 =	sor.u32 $0x20, s14;
	s15 =	sor.u32 $0x8000, s15;
	s13 =	sor.u32 $0x8000, s13  }
.LBB1_3:
0x22: {  	v3 =	vld [tilespmem:s14+$0x10]  }
0x23: {  	v2 =	vld [tilespmem:s14+$0xFFFFFFF0]  }
0x24: {  	v0 =	vld [tilespmem:s14+$0x0]  }
0x25: {  	v1 =	vld [tilespmem:s14+$0xFFFFFFE0]  }
0x26: {  	s17 =	sadd.s32 $0x0, s13  }
0x27: {  	s18 =	simm.s32 $0x4;
	s19 =	sadd.s32 $0x40, s14;
	[tilespmem:s17+$0x330 ss:$0x11] =	vst.msk $0xffff, v3  }
.LBB1_4:
0x28: {  	v3 =	vld [tilespmem:s19+$0x10];
	p1 =	sne.s32 s18, $0x3C;
	[tilespmem:s17+$0x110 ss:$0x11] =	vst.msk $0xffff, v2;
	s20 =	smov.u32 s18;
	s18 =	sadd.s32 $0x4, s18  }
.Ltmp3:
0x29: {  	v2 =	vld [tilespmem:s19+$0xFFFFFFF0];
	[tilespmem:s17+$0x220 ss:$0x11] =	vst.msk $0xffff, v0;
	(pc) =	sbr.rel @p1 .LBB1_4-.Ltmp3, $4  }
0x2a: {  	v0 =	vld [tilespmem:s19+$0x0];
	[tilespmem:s17+$0x0 ss:$0x11] =	vst.msk $0xffff, v1  }
0x2b: {  	s17 =	sshra.s32 s20, $0x2;
	v1 =	vld [tilespmem:s19+$0xFFFFFFE0]  }
0x2c: {  	s17 =	sadd.s32 s17, s13  }
0x2d: {  	s19 =	sadd.s32 $0x40, s19;
	[tilespmem:s17+$0x330 ss:$0x11] =	vst.msk $0xffff, v3  }
0x2e: {  	s16 =	sadd.s32 $0x1, s16  }
0x2f: {  	p1 =	sne.s32 s16, $0x10  }
.Ltmp4:
0x30: {  	_ = 	snop;
	(pc) =	sbr.rel @p1 .LBB1_3-.Ltmp4, $4  }
0x31: {  	_ = 	snop  }
0x32: {  	[tilespmem:s17+$0x110 ss:$0x11] =	vst.msk $0xffff, v2  }
0x33: {  	[tilespmem:s17+$0x220 ss:$0x11] =	vst.msk $0xffff, v0  }
0x34: {  	s13 =	sadd.s32 $0x440, s13;
	s14 =	sadd.s32 $0x400, s14;
	[tilespmem:s17+$0x0 ss:$0x11] =	vst.msk $0xffff, v1  }
.Ltmp5:
0x35: {  	(pc) =	sbr.rel .LBB1_7-.Ltmp5, $4  }
0x36: {  	_ = 	snop  }
0x37: {  	s12 =	sshll.u32 s12, $0xA  }
0x38: {  	s12 =	sadd.s32 s5, s12  }
0x39: {  	[hbm4b:s12+s8] =	stream.strided.scatter [tilespmem:s15], [sflag:$0x2], $0x4000, s9, s8, $0x8;
	[tilespmem:$0x10800] =	vst v63  }
.LBB1_8:
0x3a: {  	_ =	sfence.sel $0x180000  }
0x3b: {  	s2 =	simm.s32 $0x1;
	[bflag:$0x0] =	sbarrier.arrive $0xFFFF  }
0x3c: {  	s31 =	simm.s32 $0x2;
	[sflag:s2] =	ssyncpa.u1 $0x1  }
0x3d: {  	[sflag:s31] =	ssyncpa.u1 $0x1  }
0x3e: {  	p0 =	sne.s32 s0, $0x0;
	_ =	strace $0x90000047  }
0x3f: {  	s0 =	sadd.s32 @!p0 $0x100000, s1;
	[bflag:$0x2] =	sbarrier.arrive $0xFFFF  }
0x40: {  	[sflag:s0] =	ssyncadd.tile.s32 @!p0 $0x1;
	_ =	shalt  }
.Lfunc_end1:
_tile_overlayer_lowered:
.L_overlay_start_2:
0x41: {  	(tag) =	ssettag $0x2  }
0x42: {  	s0 =	rddreg [dreg:$0x0];
	s2 =	stileid.u32  }
0x43: {  	s1 =	rddreg [dreg:$0x1];
	p0 =	sne.s32 s2, $0x0  }
0x44: {  	s3 =	rddreg [dreg:$0x2];
	[bflag:$0x3] =	sbarrier.arrive $0xFFFF;
	s2 =	simm.s32 @!p0 $0x1C01  }
0x45: {  	[timem:s3], [sflag:s2] =	dma.local @!p0 [hbm:s0], s1  }
0x46: {  	s0 =	simm.s32 @!p0 $0x1  }
0x47: {  	_ =	swait.ge @!p0 [sflag:s0], s1  }
0x48: {  	s1 =	ssub.s32 @!p0 $0x0, s1;
	[sflag:s0] =	ssyncset.done @!p0 $0x0  }
0x49: {  	[sflag:s0] =	ssyncadd.s32 @!p0 s1  }
0x4a: {  	[bflag:$0x3] =	sbarrier.arrive $0xFFFF  }
0x4b: {  	_ =	shalt  }

</sc_bundles>
